<compile_context>
chip_gen: v7x
topology: tpu7x:2x2x1
jax: 0.10.2.dev20260603
libtpu: 0.0.44.dev20260713+nightly
codegen_flags: <defaults>
</compile_context>

<pallas_src>
import jax
import jax.numpy as jnp
from jax import lax
from jax.experimental import pallas as pl
from jax.experimental.pallas import tpu as pltpu
from jax.experimental.pallas import tpu_sc as plsc

D_MODEL = 1024
SCALE = 32.0
NC, NS, L = 2, 16, 16
NW = NC * NS
CHUNK = 16
NBUF = 4
PD = 2


def _body(ids_hbm, table_hbm, out_hbm, *scratch):
    idx_v = scratch[0]
    bufs = scratch[1:1 + NBUF]
    gsems = scratch[1 + NBUF:1 + 2 * NBUF]
    ssems = scratch[1 + 2 * NBUF:1 + 3 * NBUF]
    R, S = ids_hbm.shape
    B = R * S
    bpw = B // NW
    n = bpw // CHUNK
    wid = lax.axis_index("s") * NC + lax.axis_index("c")
    base = wid * bpw
    r0 = base // S
    col0 = base % S

    pltpu.sync_copy(ids_hbm.at[r0, pl.ds(col0, bpw)], idx_v)

    def gather(c, b):
        return pltpu.make_async_copy(
            table_hbm.at[idx_v.at[pl.ds(c * CHUNK, CHUNK)]], bufs[b], gsems[b]
        )

    def store(c, b):
        return pltpu.make_async_copy(
            bufs[b], out_hbm.at[r0, pl.ds(col0 + c * CHUNK, CHUNK)], ssems[b]
        )

    for c0 in range(PD):
        gather(c0, c0).start()

    def scale_buf(buf):
        @plsc.parallel_loop(0, CHUNK, 1)
        def _(j):
            @plsc.parallel_loop(0, D_MODEL, L, unroll=8)
            def _(k):
                buf[j, pl.ds(k, L)] = buf[j, pl.ds(k, L)] * SCALE

    def outer(t, _):
        for b in range(NBUF):
            c = NBUF * t + b
            nb = (b + PD) % NBUF

            @pl.when(c >= NBUF - PD)
            def _():
                store(c + PD - NBUF, nb).wait()

            @pl.when(c + PD < n)
            def _():
                gather(c + PD, nb).start()

            gather(c, b).wait()
            scale_buf(bufs[b])
            store(c, b).start()
        return _

    lax.fori_loop(0, n // NBUF, outer, None)
    for c0 in range(n - NBUF + PD, n):
        store(c0, c0 % NBUF).wait()


def kernel(input_ids, table):
    R, S = input_ids.shape
    B = R * S
    mesh = plsc.VectorSubcoreMesh(
        core_axis_name="c", subcore_axis_name="s", num_cores=NC, num_subcores=NS
    )
    return pl.kernel(
        _body,
        out_type=jax.ShapeDtypeStruct((R, S, D_MODEL), jnp.float32),
        mesh=mesh,
        scratch_types=(
            [pltpu.VMEM((B // NW,), jnp.int32)]
            + [pltpu.VMEM((CHUNK, D_MODEL), jnp.float32)] * NBUF
            + [pltpu.SemaphoreType.DMA] * NBUF
            + [pltpu.SemaphoreType.DMA] * NBUF
        ),
    )(input_ids, table)

# --- scband reference (transcript-rebuilt; emitter-appended) ---
"""Pipeline reference for scband-bart-embedding-layer-49065706389769 (READ-ONLY COPY).

The authoritative reference and input builder live on the scoring server;
editing this copy changes nothing except your own understanding.
"""

import jax, jax.numpy as jnp
import numpy as np
import math

VOCAB = 50265
D_MODEL = 1024
PAD_IDX = 1
EMBED_SCALE = math.sqrt(float(D_MODEL))  # scale_embedding=True


def setup_inputs(seed: int = 0) -> dict:
    key = jax.random.key(seed)
    k1, k2 = jax.random.split(key)
    input_ids = jax.random.randint(k1, (4, 8192), 0, VOCAB, dtype=jnp.int32)
    table = jax.random.normal(k2, (VOCAB, D_MODEL), dtype=jnp.float32) * 0.02
    # nn.Embedding(padding_idx=1) initializes the pad row to zeros
    table = table.at[PAD_IDX].set(0.0)
    return {"input_ids": input_ids, "table": table}


def reference(input_ids, table):
    # input_ids = input_ids.view(-1, input_ids.shape[-1])
    ids = input_ids.reshape(-1, input_ids.shape[-1])
    # inputs_embeds = self.embed_tokens(input_ids) * self.embed_scale
    inputs_embeds = jnp.take(table, ids, axis=0) * EMBED_SCALE
    return inputs_embeds

if __name__ == "__main__":
    import jax
    _d = setup_inputs()
    print(jax.jit(kernel)(*tuple(_d.values())))

</pallas_src>

<mosaic_0001>
#map = affine_map<(d0, d1) -> (0, 0)>
#map1 = affine_map<(d0, d1) -> (0, 0, 0)>
module attributes {stable_mosaic.version = 14 : i64} {
  func.func @_body(%arg0: i32, %arg1: i32, %arg2: memref<4x8192xi32, #tpu.memory_space<hbm>>, %arg3: memref<50265x1024xf32, #tpu.memory_space<hbm>>, %arg4: memref<4x8192x1024xf32, #tpu.memory_space<hbm>>, %arg5: memref<1024xi32, #tpu.memory_space<vmem>>, %arg6: memref<16x1024xf32, #tpu.memory_space<vmem>>, %arg7: memref<16x1024xf32, #tpu.memory_space<vmem>>, %arg8: memref<16x1024xf32, #tpu.memory_space<vmem>>, %arg9: memref<16x1024xf32, #tpu.memory_space<vmem>>, %arg10: memref<!tpu.dma_semaphore, #tpu.memory_space<semaphore_mem>>, %arg11: memref<!tpu.dma_semaphore, #tpu.memory_space<semaphore_mem>>, %arg12: memref<!tpu.dma_semaphore, #tpu.memory_space<semaphore_mem>>, %arg13: memref<!tpu.dma_semaphore, #tpu.memory_space<semaphore_mem>>, %arg14: memref<!tpu.dma_semaphore, #tpu.memory_space<semaphore_mem>>, %arg15: memref<!tpu.dma_semaphore, #tpu.memory_space<semaphore_mem>>, %arg16: memref<!tpu.dma_semaphore, #tpu.memory_space<semaphore_mem>>, %arg17: memref<!tpu.dma_semaphore, #tpu.memory_space<semaphore_mem>>) attributes {dimension_semantics = [#tpu.dimension_semantics<core_parallel>, #tpu.dimension_semantics<subcore_parallel>], iteration_bounds = array<i64: 2, 16>, scalar_prefetch = 0 : i64, scratch_operands = 13 : i64, tpu.core_type = #tpu.core_type<sc_vector_subcore>, window_params = [{transform_indices = #map}, {transform_indices = #map}, {transform_indices = #map1}]} {
    %mul3A = arith.constant 2 : i32
    %mul3A_0 = arith.muli %arg1, %mul3A : i32
    %add3A = arith.addi %mul3A_0, %arg0 : i32
    %mul3A_1 = arith.constant 1024 : i32
    %mul3A_2 = arith.muli %add3A, %mul3A_1 : i32
    %jit3A = arith.constant 8192 : i32
    %div3A = arith.divsi %mul3A_2, %jit3A : i32
    %sign3A = arith.constant 0 : i32
    %sign3A_3 = arith.cmpi sgt, %mul3A_2, %sign3A : i32
    %sign3A_4 = arith.extui %sign3A_3 : i1 to i32
    %sign3A_5 = arith.constant 0 : i32
    %sign3A_6 = arith.cmpi slt, %mul3A_2, %sign3A_5 : i32
    %sign3A_7 = arith.extui %sign3A_6 : i1 to i32
    %sign3A_8 = arith.subi %sign3A_4, %sign3A_7 : i32
    %sign3A_9 = arith.constant 0 : i32
    %sign3A_10 = arith.cmpi sgt, %jit3A, %sign3A_9 : i32
    %sign3A_11 = arith.extui %sign3A_10 : i1 to i32
    %sign3A_12 = arith.constant 0 : i32
    %sign3A_13 = arith.cmpi slt, %jit3A, %sign3A_12 : i32
    %sign3A_14 = arith.extui %sign3A_13 : i1 to i32
    %sign3A_15 = arith.subi %sign3A_11, %sign3A_14 : i32
    %ne3A = arith.cmpi ne, %sign3A_8, %sign3A_15 : i32
    %rem3A = arith.remsi %mul3A_2, %jit3A : i32
    %ne3A_16 = arith.constant 0 : i32
    %ne3A_17 = arith.cmpi ne, %rem3A, %ne3A_16 : i32
    %and3A = arith.andi %ne3A, %ne3A_17 : i1
    %sub3A = arith.constant 1 : i32
    %sub3A_18 = arith.subi %div3A, %sub3A : i32
    %select_n3A = arith.select %and3A, %sub3A_18, %div3A : i32
    %jit3A_19 = arith.constant 8192 : i32
    %eq3A = arith.constant 0 : i32
    %eq3A_20 = arith.cmpi eq, %jit3A_19, %eq3A : i32
    %jit3A_21 = arith.constant 1 : i32
    %select_n3A_22 = arith.select %eq3A_20, %jit3A_21, %jit3A_19 : i32
    %rem3A_23 = arith.remsi %mul3A_2, %select_n3A_22 : i32
    %ne3A_24 = arith.constant 0 : i32
    %ne3A_25 = arith.cmpi ne, %rem3A_23, %ne3A_24 : i32
    %lt3A = arith.constant 0 : i32
    %lt3A_26 = arith.cmpi slt, %rem3A_23, %lt3A : i32
    %lt3A_27 = arith.constant 0 : i32
    %lt3A_28 = arith.cmpi slt, %select_n3A_22, %lt3A_27 : i32
    %ne3A_29 = arith.xori %lt3A_26, %lt3A_28 : i1
    %and3A_30 = arith.andi %ne3A_29, %ne3A_25 : i1
    %add3A_31 = arith.addi %rem3A_23, %select_n3A_22 : i32
    %select_n3A_32 = arith.select %and3A_30, %add3A_31, %rem3A_23 : i32
    "tpu.region"() ({
      %run_scoped3A = tpu.sem_alloc : memref<!tpu.dma_semaphore, #tpu.memory_space<semaphore_mem>>
      %dma_start3A_61 = tpu.memref_slice %arg2[%select_n3A, %select_n3A_32] : memref<4x8192xi32, #tpu.memory_space<hbm>> -> memref<1x1024xi32, #tpu.memory_space<hbm>>
      %dma_start3A_62 = tpu.memref_squeeze %dma_start3A_61 : memref<1x1024xi32, #tpu.memory_space<hbm>> -> memref<1024xi32, #tpu.memory_space<hbm>>
      %dma_start3A_63 = tpu.memref_slice %arg2[%select_n3A, %select_n3A_32] : memref<4x8192xi32, #tpu.memory_space<hbm>> -> memref<1x1024xi32, #tpu.memory_space<hbm>>
      %dma_start3A_64 = tpu.memref_squeeze %dma_start3A_63 : memref<1x1024xi32, #tpu.memory_space<hbm>> -> memref<1024xi32, #tpu.memory_space<hbm>>
      tpu.enqueue_dma source(%dma_start3A_64 : memref<1024xi32, #tpu.memory_space<hbm>>) target(%arg5 : memref<1024xi32, #tpu.memory_space<vmem>>) target_semaphore(%run_scoped3A : memref<!tpu.dma_semaphore, #tpu.memory_space<semaphore_mem>>)
      %dma_wait3A_65 = tpu.memref_slice %arg2[%select_n3A, %select_n3A_32] : memref<4x8192xi32, #tpu.memory_space<hbm>> -> memref<1x1024xi32, #tpu.memory_space<hbm>>
      %dma_wait3A_66 = tpu.memref_squeeze %dma_wait3A_65 : memref<1x1024xi32, #tpu.memory_space<hbm>> -> memref<1024xi32, #tpu.memory_space<hbm>>
      %dma_wait3A_67 = tpu.memref_slice %arg2[%select_n3A, %select_n3A_32] : memref<4x8192xi32, #tpu.memory_space<hbm>> -> memref<1x1024xi32, #tpu.memory_space<hbm>>
      %dma_wait3A_68 = tpu.memref_squeeze %dma_wait3A_67 : memref<1x1024xi32, #tpu.memory_space<hbm>> -> memref<1024xi32, #tpu.memory_space<hbm>>
      tpu.wait_dma2 semaphore(%run_scoped3A : memref<!tpu.dma_semaphore, #tpu.memory_space<semaphore_mem>>) src(%dma_wait3A_68 : memref<1024xi32, #tpu.memory_space<hbm>>) dst(%arg5 : memref<1024xi32, #tpu.memory_space<vmem>>)
      tpu.yield
    }) : () -> ()
    %dma_start3A = arith.constant 0 : i32
    %dma_start3A_33 = tpu.memref_slice %arg5[%dma_start3A] : memref<1024xi32, #tpu.memory_space<vmem>> -> memref<16xi32, #tpu.memory_space<vmem>>
    %dma_start3A_34 = arith.constant 0 : i32
    %dma_start3A_35 = arith.constant 0 : i32
    %dma_start3A_36 = tpu.memref_slice %arg3[%dma_start3A_34, %dma_start3A_35] : memref<50265x1024xf32, #tpu.memory_space<hbm>> -> memref<50265x1024xf32, #tpu.memory_space<hbm>>
    tpu.enqueue_indirect_dma source(%dma_start3A_36 : memref<50265x1024xf32, #tpu.memory_space<hbm>>) target(%arg6 : memref<16x1024xf32, #tpu.memory_space<vmem>>) offsets(%dma_start3A_33 : memref<16xi32, #tpu.memory_space<vmem>>) semaphore(%arg10 : memref<!tpu.dma_semaphore, #tpu.memory_space<semaphore_mem>>)
    %dma_start3A_37 = arith.constant 16 : i32
    %dma_start3A_38 = tpu.memref_slice %arg5[%dma_start3A_37] : memref<1024xi32, #tpu.memory_space<vmem>> -> memref<16xi32, #tpu.memory_space<vmem>>
    %dma_start3A_39 = arith.constant 0 : i32
    %dma_start3A_40 = arith.constant 0 : i32
    %dma_start3A_41 = tpu.memref_slice %arg3[%dma_start3A_39, %dma_start3A_40] : memref<50265x1024xf32, #tpu.memory_space<hbm>> -> memref<50265x1024xf32, #tpu.memory_space<hbm>>
    tpu.enqueue_indirect_dma source(%dma_start3A_41 : memref<50265x1024xf32, #tpu.memory_space<hbm>>) target(%arg7 : memref<16x1024xf32, #tpu.memory_space<vmem>>) offsets(%dma_start3A_38 : memref<16xi32, #tpu.memory_space<vmem>>) semaphore(%arg11 : memref<!tpu.dma_semaphore, #tpu.memory_space<semaphore_mem>>)
    %scan3A = arith.constant 0 : i32
    %scan3A_42 = arith.constant 16 : i32
    %scan3A_43 = arith.addi %scan3A, %scan3A_42 : i32
    %scan3A_44 = arith.constant 1 : i32
    scf.for %scan3A_61 = %scan3A to %scan3A_43 step %scan3A_44  : i32 {
      %mul3A_62 = arith.constant 4 : i32
      %mul3A_63 = arith.muli %mul3A_62, %scan3A_61 : i32
      %add3A_64 = arith.constant 0 : i32
      %add3A_65 = arith.addi %mul3A_63, %add3A_64 : i32
      %ge3A = arith.constant 2 : i32
      %ge3A_66 = arith.cmpi sge, %add3A_65, %ge3A : i32
      %convert_element_type3A = arith.extui %ge3A_66 : i1 to i32
      %cond3A = arith.constant 0 : i32
      %cond3A_67 = arith.cmpi ne, %convert_element_type3A, %cond3A : i32
      scf.if %cond3A_67 {
        %add3A_194 = arith.constant 2 : i32
        %add3A_195 = arith.addi %add3A_65, %add3A_194 : i32
        %sub3A_196 = arith.constant 4 : i32
        %sub3A_197 = arith.subi %add3A_195, %sub3A_196 : i32
        %mul3A_198 = arith.constant 16 : i32
        %mul3A_199 = arith.muli %sub3A_197, %mul3A_198 : i32
        %add3A_200 = arith.addi %select_n3A_32, %mul3A_199 : i32
        %dma_wait3A_201 = arith.constant 0 : i32
        %dma_wait3A_202 = tpu.memref_slice %arg4[%select_n3A, %add3A_200, %dma_wait3A_201] : memref<4x8192x1024xf32, #tpu.memory_space<hbm>> -> memref<1x16x1024xf32, #tpu.memory_space<hbm>>
        %dma_wait3A_203 = tpu.memref_squeeze %dma_wait3A_202 : memref<1x16x1024xf32, #tpu.memory_space<hbm>> -> memref<16x1024xf32, #tpu.memory_space<hbm>>
        %dma_wait3A_204 = arith.constant 0 : i32
        %dma_wait3A_205 = tpu.memref_slice %arg4[%select_n3A, %add3A_200, %dma_wait3A_204] : memref<4x8192x1024xf32, #tpu.memory_space<hbm>> -> memref<1x16x1024xf32, #tpu.memory_space<hbm>>
        %dma_wait3A_206 = tpu.memref_squeeze %dma_wait3A_205 : memref<1x16x1024xf32, #tpu.memory_space<hbm>> -> memref<16x1024xf32, #tpu.memory_space<hbm>>
        tpu.wait_dma2 semaphore(%arg16 : memref<!tpu.dma_semaphore, #tpu.memory_space<semaphore_mem>>) src(%arg8 : memref<16x1024xf32, #tpu.memory_space<vmem>>) dst(%dma_wait3A_206 : memref<16x1024xf32, #tpu.memory_space<hbm>>)
      } else {
      }
      %add3A_68 = arith.constant 2 : i32
      %add3A_69 = arith.addi %add3A_65, %add3A_68 : i32
      %lt3A_70 = arith.constant 64 : i32
      %lt3A_71 = arith.cmpi slt, %add3A_69, %lt3A_70 : i32
      %convert_element_type3A_72 = arith.extui %lt3A_71 : i1 to i32
      %cond3A_73 = arith.constant 0 : i32
      %cond3A_74 = arith.cmpi ne, %convert_element_type3A_72, %cond3A_73 : i32
      scf.if %cond3A_74 {
        %add3A_194 = arith.constant 2 : i32
        %add3A_195 = arith.addi %add3A_65, %add3A_194 : i32
        %mul3A_196 = arith.constant 16 : i32
        %mul3A_197 = arith.muli %add3A_195, %mul3A_196 : i32
        %dma_start3A_198 = tpu.memref_slice %arg5[%mul3A_197] : memref<1024xi32, #tpu.memory_space<vmem>> -> memref<16xi32, #tpu.memory_space<vmem>>
        %dma_start3A_199 = arith.constant 0 : i32
        %dma_start3A_200 = arith.constant 0 : i32
        %dma_start3A_201 = tpu.memref_slice %arg3[%dma_start3A_199, %dma_start3A_200] : memref<50265x1024xf32, #tpu.memory_space<hbm>> -> memref<50265x1024xf32, #tpu.memory_space<hbm>>
        tpu.enqueue_indirect_dma source(%dma_start3A_201 : memref<50265x1024xf32, #tpu.memory_space<hbm>>) target(%arg8 : memref<16x1024xf32, #tpu.memory_space<vmem>>) offsets(%dma_start3A_198 : memref<16xi32, #tpu.memory_space<vmem>>) semaphore(%arg12 : memref<!tpu.dma_semaphore, #tpu.memory_space<semaphore_mem>>)
      } else {
      }
      %mul3A_75 = arith.constant 16 : i32
      %mul3A_76 = arith.muli %add3A_65, %mul3A_75 : i32
      %dma_wait3A_77 = tpu.memref_slice %arg5[%mul3A_76] : memref<1024xi32, #tpu.memory_space<vmem>> -> memref<16xi32, #tpu.memory_space<vmem>>
      %dma_wait3A_78 = arith.constant 0 : i32
      %dma_wait3A_79 = arith.constant 0 : i32
      %dma_wait3A_80 = tpu.memref_slice %arg3[%dma_wait3A_78, %dma_wait3A_79] : memref<50265x1024xf32, #tpu.memory_space<hbm>> -> memref<50265x1024xf32, #tpu.memory_space<hbm>>
      tpu.wait_indirect_dma semaphore(%arg10 : memref<!tpu.dma_semaphore, #tpu.memory_space<semaphore_mem>>) src(%dma_wait3A_80 : memref<50265x1024xf32, #tpu.memory_space<hbm>>) dst(%arg6 : memref<16x1024xf32, #tpu.memory_space<vmem>>)
      %parallel_loop3A = arith.constant 0 : i32
      %parallel_loop3A_81 = arith.constant 16 : i32
      %parallel_loop3A_82 = arith.constant 1 : i32
      scf.for %parallel_loop3A_194 = %parallel_loop3A to %parallel_loop3A_81 step %parallel_loop3A_82  : i32 {
        %parallel_loop3A_195 = arith.constant 0 : i32
        %parallel_loop3A_196 = arith.constant 1024 : i32
        %parallel_loop3A_197 = arith.constant 16 : i32
        scf.for %parallel_loop3A_198 = %parallel_loop3A_195 to %parallel_loop3A_196 step %parallel_loop3A_197  : i32 {
          %parallel_loop3A_199 = arith.index_cast %parallel_loop3A_194 : i32 to index
          %parallel_loop3A_200 = arith.index_cast %parallel_loop3A_198 : i32 to index
          %parallel_loop3A_201 = tpu.vector_load %arg6[%parallel_loop3A_199, %parallel_loop3A_200] {strides = array<i32>} : memref<16x1024xf32, #tpu.memory_space<vmem>>, vector<1x16xf32>,
          %parallel_loop3A_202 = vector.shape_cast %parallel_loop3A_201 : vector<1x16xf32> to vector<16xf32>
          %parallel_loop3A_203 = arith.constant 3.200000e+01 : f32
          %parallel_loop3A_204 = vector.broadcast %parallel_loop3A_203 : f32 to vector<16xf32>
          %parallel_loop3A_205 = arith.mulf %parallel_loop3A_202, %parallel_loop3A_204 : vector<16xf32>
          %parallel_loop3A_206 = arith.index_cast %parallel_loop3A_194 : i32 to index
          %parallel_loop3A_207 = arith.index_cast %parallel_loop3A_198 : i32 to index
          %parallel_loop3A_208 = tpu.vector_load %arg6[%parallel_loop3A_206, %parallel_loop3A_207] {strides = array<i32>} : memref<16x1024xf32, #tpu.memory_space<vmem>>, vector<1x16xf32>,
          %parallel_loop3A_209 = vector.shape_cast %parallel_loop3A_208 : vector<1x16xf32> to vector<16xf32>
          %parallel_loop3A_210 = vector.shape_cast %parallel_loop3A_205 : vector<16xf32> to vector<1x16xf32>
          tpu.vector_store %arg6[%parallel_loop3A_206, %parallel_loop3A_207], %parallel_loop3A_210 {strides = array<i32>} : memref<16x1024xf32, #tpu.memory_space<vmem>>, vector<1x16xf32>,
        } {sc.loop_unroll_factor = 8 : i64, sc.parallel_access}
      } {sc.loop_unroll_factor = 1 : i64, sc.parallel_access}
      %mul3A_83 = arith.constant 16 : i32
      %mul3A_84 = arith.muli %add3A_65, %mul3A_83 : i32
      %add3A_85 = arith.addi %select_n3A_32, %mul3A_84 : i32
      %dma_start3A_86 = arith.constant 0 : i32
      %dma_start3A_87 = tpu.memref_slice %arg4[%select_n3A, %add3A_85, %dma_start3A_86] : memref<4x8192x1024xf32, #tpu.memory_space<hbm>> -> memref<1x16x1024xf32, #tpu.memory_space<hbm>>
      %dma_start3A_88 = tpu.memref_squeeze %dma_start3A_87 : memref<1x16x1024xf32, #tpu.memory_space<hbm>> -> memref<16x1024xf32, #tpu.memory_space<hbm>>
      %dma_start3A_89 = arith.constant 0 : i32
      %dma_start3A_90 = tpu.memref_slice %arg4[%select_n3A, %add3A_85, %dma_start3A_89] : memref<4x8192x1024xf32, #tpu.memory_space<hbm>> -> memref<1x16x1024xf32, #tpu.memory_space<hbm>>
      %dma_start3A_91 = tpu.memref_squeeze %dma_start3A_90 : memref<1x16x1024xf32, #tpu.memory_space<hbm>> -> memref<16x1024xf32, #tpu.memory_space<hbm>>
      tpu.enqueue_dma source(%arg6 : memref<16x1024xf32, #tpu.memory_space<vmem>>) target(%dma_start3A_91 : memref<16x1024xf32, #tpu.memory_space<hbm>>) target_semaphore(%arg14 : memref<!tpu.dma_semaphore, #tpu.memory_space<semaphore_mem>>)
      %mul3A_92 = arith.constant 4 : i32
      %mul3A_93 = arith.muli %mul3A_92, %scan3A_61 : i32
      %add3A_94 = arith.constant 1 : i32
      %add3A_95 = arith.addi %mul3A_93, %add3A_94 : i32
      %ge3A_96 = arith.constant 2 : i32
      %ge3A_97 = arith.cmpi sge, %add3A_95, %ge3A_96 : i32
      %convert_element_type3A_98 = arith.extui %ge3A_97 : i1 to i32
      %cond3A_99 = arith.constant 0 : i32
      %cond3A_100 = arith.cmpi ne, %convert_element_type3A_98, %cond3A_99 : i32
      scf.if %cond3A_100 {
        %add3A_194 = arith.constant 2 : i32
        %add3A_195 = arith.addi %add3A_95, %add3A_194 : i32
        %sub3A_196 = arith.constant 4 : i32
        %sub3A_197 = arith.subi %add3A_195, %sub3A_196 : i32
        %mul3A_198 = arith.constant 16 : i32
        %mul3A_199 = arith.muli %sub3A_197, %mul3A_198 : i32
        %add3A_200 = arith.addi %select_n3A_32, %mul3A_199 : i32
        %dma_wait3A_201 = arith.constant 0 : i32
        %dma_wait3A_202 = tpu.memref_slice %arg4[%select_n3A, %add3A_200, %dma_wait3A_201] : memref<4x8192x1024xf32, #tpu.memory_space<hbm>> -> memref<1x16x1024xf32, #tpu.memory_space<hbm>>
        %dma_wait3A_203 = tpu.memref_squeeze %dma_wait3A_202 : memref<1x16x1024xf32, #tpu.memory_space<hbm>> -> memref<16x1024xf32, #tpu.memory_space<hbm>>
        %dma_wait3A_204 = arith.constant 0 : i32
        %dma_wait3A_205 = tpu.memref_slice %arg4[%select_n3A, %add3A_200, %dma_wait3A_204] : memref<4x8192x1024xf32, #tpu.memory_space<hbm>> -> memref<1x16x1024xf32, #tpu.memory_space<hbm>>
        %dma_wait3A_206 = tpu.memref_squeeze %dma_wait3A_205 : memref<1x16x1024xf32, #tpu.memory_space<hbm>> -> memref<16x1024xf32, #tpu.memory_space<hbm>>
        tpu.wait_dma2 semaphore(%arg17 : memref<!tpu.dma_semaphore, #tpu.memory_space<semaphore_mem>>) src(%arg9 : memref<16x1024xf32, #tpu.memory_space<vmem>>) dst(%dma_wait3A_206 : memref<16x1024xf32, #tpu.memory_space<hbm>>)
      } else {
      }
      %add3A_101 = arith.constant 2 : i32
      %add3A_102 = arith.addi %add3A_95, %add3A_101 : i32
      %lt3A_103 = arith.constant 64 : i32
      %lt3A_104 = arith.cmpi slt, %add3A_102, %lt3A_103 : i32
      %convert_element_type3A_105 = arith.extui %lt3A_104 : i1 to i32
      %cond3A_106 = arith.constant 0 : i32
      %cond3A_107 = arith.cmpi ne, %convert_element_type3A_105, %cond3A_106 : i32
      scf.if %cond3A_107 {
        %add3A_194 = arith.constant 2 : i32
        %add3A_195 = arith.addi %add3A_95, %add3A_194 : i32
        %mul3A_196 = arith.constant 16 : i32
        %mul3A_197 = arith.muli %add3A_195, %mul3A_196 : i32
        %dma_start3A_198 = tpu.memref_slice %arg5[%mul3A_197] : memref<1024xi32, #tpu.memory_space<vmem>> -> memref<16xi32, #tpu.memory_space<vmem>>
        %dma_start3A_199 = arith.constant 0 : i32
        %dma_start3A_200 = arith.constant 0 : i32
        %dma_start3A_201 = tpu.memref_slice %arg3[%dma_start3A_199, %dma_start3A_200] : memref<50265x1024xf32, #tpu.memory_space<hbm>> -> memref<50265x1024xf32, #tpu.memory_space<hbm>>
        tpu.enqueue_indirect_dma source(%dma_start3A_201 : memref<50265x1024xf32, #tpu.memory_space<hbm>>) target(%arg9 : memref<16x1024xf32, #tpu.memory_space<vmem>>) offsets(%dma_start3A_198 : memref<16xi32, #tpu.memory_space<vmem>>) semaphore(%arg13 : memref<!tpu.dma_semaphore, #tpu.memory_space<semaphore_mem>>)
      } else {
      }
      %mul3A_108 = arith.constant 16 : i32
      %mul3A_109 = arith.muli %add3A_95, %mul3A_108 : i32
      %dma_wait3A_110 = tpu.memref_slice %arg5[%mul3A_109] : memref<1024xi32, #tpu.memory_space<vmem>> -> memref<16xi32, #tpu.memory_space<vmem>>
      %dma_wait3A_111 = arith.constant 0 : i32
      %dma_wait3A_112 = arith.constant 0 : i32
      %dma_wait3A_113 = tpu.memref_slice %arg3[%dma_wait3A_111, %dma_wait3A_112] : memref<50265x1024xf32, #tpu.memory_space<hbm>> -> memref<50265x1024xf32, #tpu.memory_space<hbm>>
      tpu.wait_indirect_dma semaphore(%arg11 : memref<!tpu.dma_semaphore, #tpu.memory_space<semaphore_mem>>) src(%dma_wait3A_113 : memref<50265x1024xf32, #tpu.memory_space<hbm>>) dst(%arg7 : memref<16x1024xf32, #tpu.memory_space<vmem>>)
      %parallel_loop3A_114 = arith.constant 0 : i32
      %parallel_loop3A_115 = arith.constant 16 : i32
      %parallel_loop3A_116 = arith.constant 1 : i32
      scf.for %parallel_loop3A_194 = %parallel_loop3A_114 to %parallel_loop3A_115 step %parallel_loop3A_116  : i32 {
        %parallel_loop3A_195 = arith.constant 0 : i32
        %parallel_loop3A_196 = arith.constant 1024 : i32
        %parallel_loop3A_197 = arith.constant 16 : i32
        scf.for %parallel_loop3A_198 = %parallel_loop3A_195 to %parallel_loop3A_196 step %parallel_loop3A_197  : i32 {
          %parallel_loop3A_199 = arith.index_cast %parallel_loop3A_194 : i32 to index
          %parallel_loop3A_200 = arith.index_cast %parallel_loop3A_198 : i32 to index
          %parallel_loop3A_201 = tpu.vector_load %arg7[%parallel_loop3A_199, %parallel_loop3A_200] {strides = array<i32>} : memref<16x1024xf32, #tpu.memory_space<vmem>>, vector<1x16xf32>,
          %parallel_loop3A_202 = vector.shape_cast %parallel_loop3A_201 : vector<1x16xf32> to vector<16xf32>
          %parallel_loop3A_203 = arith.constant 3.200000e+01 : f32
          %parallel_loop3A_204 = vector.broadcast %parallel_loop3A_203 : f32 to vector<16xf32>
          %parallel_loop3A_205 = arith.mulf %parallel_loop3A_202, %parallel_loop3A_204 : vector<16xf32>
          %parallel_loop3A_206 = arith.index_cast %parallel_loop3A_194 : i32 to index
          %parallel_loop3A_207 = arith.index_cast %parallel_loop3A_198 : i32 to index
          %parallel_loop3A_208 = tpu.vector_load %arg7[%parallel_loop3A_206, %parallel_loop3A_207] {strides = array<i32>} : memref<16x1024xf32, #tpu.memory_space<vmem>>, vector<1x16xf32>,
          %parallel_loop3A_209 = vector.shape_cast %parallel_loop3A_208 : vector<1x16xf32> to vector<16xf32>
          %parallel_loop3A_210 = vector.shape_cast %parallel_loop3A_205 : vector<16xf32> to vector<1x16xf32>
          tpu.vector_store %arg7[%parallel_loop3A_206, %parallel_loop3A_207], %parallel_loop3A_210 {strides = array<i32>} : memref<16x1024xf32, #tpu.memory_space<vmem>>, vector<1x16xf32>,
        } {sc.loop_unroll_factor = 8 : i64, sc.parallel_access}
      } {sc.loop_unroll_factor = 1 : i64, sc.parallel_access}
      %mul3A_117 = arith.constant 16 : i32
      %mul3A_118 = arith.muli %add3A_95, %mul3A_117 : i32
      %add3A_119 = arith.addi %select_n3A_32, %mul3A_118 : i32
      %dma_start3A_120 = arith.constant 0 : i32
      %dma_start3A_121 = tpu.memref_slice %arg4[%select_n3A, %add3A_119, %dma_start3A_120] : memref<4x8192x1024xf32, #tpu.memory_space<hbm>> -> memref<1x16x1024xf32, #tpu.memory_space<hbm>>
      %dma_start3A_122 = tpu.memref_squeeze %dma_start3A_121 : memref<1x16x1024xf32, #tpu.memory_space<hbm>> -> memref<16x1024xf32, #tpu.memory_space<hbm>>
      %dma_start3A_123 = arith.constant 0 : i32
      %dma_start3A_124 = tpu.memref_slice %arg4[%select_n3A, %add3A_119, %dma_start3A_123] : memref<4x8192x1024xf32, #tpu.memory_space<hbm>> -> memref<1x16x1024xf32, #tpu.memory_space<hbm>>
      %dma_start3A_125 = tpu.memref_squeeze %dma_start3A_124 : memref<1x16x1024xf32, #tpu.memory_space<hbm>> -> memref<16x1024xf32, #tpu.memory_space<hbm>>
      tpu.enqueue_dma source(%arg7 : memref<16x1024xf32, #tpu.memory_space<vmem>>) target(%dma_start3A_125 : memref<16x1024xf32, #tpu.memory_space<hbm>>) target_semaphore(%arg15 : memref<!tpu.dma_semaphore, #tpu.memory_space<semaphore_mem>>)
      %mul3A_126 = arith.constant 4 : i32
      %mul3A_127 = arith.muli %mul3A_126, %scan3A_61 : i32
      %add3A_128 = arith.constant 2 : i32
      %add3A_129 = arith.addi %mul3A_127, %add3A_128 : i32
      %ge3A_130 = arith.constant 2 : i32
      %ge3A_131 = arith.cmpi sge, %add3A_129, %ge3A_130 : i32
      %convert_element_type3A_132 = arith.extui %ge3A_131 : i1 to i32
      %cond3A_133 = arith.constant 0 : i32
      %cond3A_134 = arith.cmpi ne, %convert_element_type3A_132, %cond3A_133 : i32
      scf.if %cond3A_134 {
        %add3A_194 = arith.constant 2 : i32
        %add3A_195 = arith.addi %add3A_129, %add3A_194 : i32
        %sub3A_196 = arith.constant 4 : i32
        %sub3A_197 = arith.subi %add3A_195, %sub3A_196 : i32
        %mul3A_198 = arith.constant 16 : i32
        %mul3A_199 = arith.muli %sub3A_197, %mul3A_198 : i32
        %add3A_200 = arith.addi %select_n3A_32, %mul3A_199 : i32
        %dma_wait3A_201 = arith.constant 0 : i32
        %dma_wait3A_202 = tpu.memref_slice %arg4[%select_n3A, %add3A_200, %dma_wait3A_201] : memref<4x8192x1024xf32, #tpu.memory_space<hbm>> -> memref<1x16x1024xf32, #tpu.memory_space<hbm>>
        %dma_wait3A_203 = tpu.memref_squeeze %dma_wait3A_202 : memref<1x16x1024xf32, #tpu.memory_space<hbm>> -> memref<16x1024xf32, #tpu.memory_space<hbm>>
        %dma_wait3A_204 = arith.constant 0 : i32
        %dma_wait3A_205 = tpu.memref_slice %arg4[%select_n3A, %add3A_200, %dma_wait3A_204] : memref<4x8192x1024xf32, #tpu.memory_space<hbm>> -> memref<1x16x1024xf32, #tpu.memory_space<hbm>>
        %dma_wait3A_206 = tpu.memref_squeeze %dma_wait3A_205 : memref<1x16x1024xf32, #tpu.memory_space<hbm>> -> memref<16x1024xf32, #tpu.memory_space<hbm>>
        tpu.wait_dma2 semaphore(%arg14 : memref<!tpu.dma_semaphore, #tpu.memory_space<semaphore_mem>>) src(%arg6 : memref<16x1024xf32, #tpu.memory_space<vmem>>) dst(%dma_wait3A_206 : memref<16x1024xf32, #tpu.memory_space<hbm>>)
      } else {
      }
      %add3A_135 = arith.constant 2 : i32
      %add3A_136 = arith.addi %add3A_129, %add3A_135 : i32
      %lt3A_137 = arith.constant 64 : i32
      %lt3A_138 = arith.cmpi slt, %add3A_136, %lt3A_137 : i32
      %convert_element_type3A_139 = arith.extui %lt3A_138 : i1 to i32
      %cond3A_140 = arith.constant 0 : i32
      %cond3A_141 = arith.cmpi ne, %convert_element_type3A_139, %cond3A_140 : i32
      scf.if %cond3A_141 {
        %add3A_194 = arith.constant 2 : i32
        %add3A_195 = arith.addi %add3A_129, %add3A_194 : i32
        %mul3A_196 = arith.constant 16 : i32
        %mul3A_197 = arith.muli %add3A_195, %mul3A_196 : i32
        %dma_start3A_198 = tpu.memref_slice %arg5[%mul3A_197] : memref<1024xi32, #tpu.memory_space<vmem>> -> memref<16xi32, #tpu.memory_space<vmem>>
        %dma_start3A_199 = arith.constant 0 : i32
        %dma_start3A_200 = arith.constant 0 : i32
        %dma_start3A_201 = tpu.memref_slice %arg3[%dma_start3A_199, %dma_start3A_200] : memref<50265x1024xf32, #tpu.memory_space<hbm>> -> memref<50265x1024xf32, #tpu.memory_space<hbm>>
        tpu.enqueue_indirect_dma source(%dma_start3A_201 : memref<50265x1024xf32, #tpu.memory_space<hbm>>) target(%arg6 : memref<16x1024xf32, #tpu.memory_space<vmem>>) offsets(%dma_start3A_198 : memref<16xi32, #tpu.memory_space<vmem>>) semaphore(%arg10 : memref<!tpu.dma_semaphore, #tpu.memory_space<semaphore_mem>>)
      } else {
      }
      %mul3A_142 = arith.constant 16 : i32
      %mul3A_143 = arith.muli %add3A_129, %mul3A_142 : i32
      %dma_wait3A_144 = tpu.memref_slice %arg5[%mul3A_143] : memref<1024xi32, #tpu.memory_space<vmem>> -> memref<16xi32, #tpu.memory_space<vmem>>
      %dma_wait3A_145 = arith.constant 0 : i32
      %dma_wait3A_146 = arith.constant 0 : i32
      %dma_wait3A_147 = tpu.memref_slice %arg3[%dma_wait3A_145, %dma_wait3A_146] : memref<50265x1024xf32, #tpu.memory_space<hbm>> -> memref<50265x1024xf32, #tpu.memory_space<hbm>>
      tpu.wait_indirect_dma semaphore(%arg12 : memref<!tpu.dma_semaphore, #tpu.memory_space<semaphore_mem>>) src(%dma_wait3A_147 : memref<50265x1024xf32, #tpu.memory_space<hbm>>) dst(%arg8 : memref<16x1024xf32, #tpu.memory_space<vmem>>)
      %parallel_loop3A_148 = arith.constant 0 : i32
      %parallel_loop3A_149 = arith.constant 16 : i32
      %parallel_loop3A_150 = arith.constant 1 : i32
      scf.for %parallel_loop3A_194 = %parallel_loop3A_148 to %parallel_loop3A_149 step %parallel_loop3A_150  : i32 {
        %parallel_loop3A_195 = arith.constant 0 : i32
        %parallel_loop3A_196 = arith.constant 1024 : i32
        %parallel_loop3A_197 = arith.constant 16 : i32
        scf.for %parallel_loop3A_198 = %parallel_loop3A_195 to %parallel_loop3A_196 step %parallel_loop3A_197  : i32 {
          %parallel_loop3A_199 = arith.index_cast %parallel_loop3A_194 : i32 to index
          %parallel_loop3A_200 = arith.index_cast %parallel_loop3A_198 : i32 to index
          %parallel_loop3A_201 = tpu.vector_load %arg8[%parallel_loop3A_199, %parallel_loop3A_200] {strides = array<i32>} : memref<16x1024xf32, #tpu.memory_space<vmem>>, vector<1x16xf32>,
          %parallel_loop3A_202 = vector.shape_cast %parallel_loop3A_201 : vector<1x16xf32> to vector<16xf32>
          %parallel_loop3A_203 = arith.constant 3.200000e+01 : f32
          %parallel_loop3A_204 = vector.broadcast %parallel_loop3A_203 : f32 to vector<16xf32>
          %parallel_loop3A_205 = arith.mulf %parallel_loop3A_202, %parallel_loop3A_204 : vector<16xf32>
          %parallel_loop3A_206 = arith.index_cast %parallel_loop3A_194 : i32 to index
          %parallel_loop3A_207 = arith.index_cast %parallel_loop3A_198 : i32 to index
          %parallel_loop3A_208 = tpu.vector_load %arg8[%parallel_loop3A_206, %parallel_loop3A_207] {strides = array<i32>} : memref<16x1024xf32, #tpu.memory_space<vmem>>, vector<1x16xf32>,
          %parallel_loop3A_209 = vector.shape_cast %parallel_loop3A_208 : vector<1x16xf32> to vector<16xf32>
          %parallel_loop3A_210 = vector.shape_cast %parallel_loop3A_205 : vector<16xf32> to vector<1x16xf32>
          tpu.vector_store %arg8[%parallel_loop3A_206, %parallel_loop3A_207], %parallel_loop3A_210 {strides = array<i32>} : memref<16x1024xf32, #tpu.memory_space<vmem>>, vector<1x16xf32>,
        } {sc.loop_unroll_factor = 8 : i64, sc.parallel_access}
      } {sc.loop_unroll_factor = 1 : i64, sc.parallel_access}
      %mul3A_151 = arith.constant 16 : i32
      %mul3A_152 = arith.muli %add3A_129, %mul3A_151 : i32
      %add3A_153 = arith.addi %select_n3A_32, %mul3A_152 : i32
      %dma_start3A_154 = arith.constant 0 : i32
      %dma_start3A_155 = tpu.memref_slice %arg4[%select_n3A, %add3A_153, %dma_start3A_154] : memref<4x8192x1024xf32, #tpu.memory_space<hbm>> -> memref<1x16x1024xf32, #tpu.memory_space<hbm>>
      %dma_start3A_156 = tpu.memref_squeeze %dma_start3A_155 : memref<1x16x1024xf32, #tpu.memory_space<hbm>> -> memref<16x1024xf32, #tpu.memory_space<hbm>>
      %dma_start3A_157 = arith.constant 0 : i32
      %dma_start3A_158 = tpu.memref_slice %arg4[%select_n3A, %add3A_153, %dma_start3A_157] : memref<4x8192x1024xf32, #tpu.memory_space<hbm>> -> memref<1x16x1024xf32, #tpu.memory_space<hbm>>
      %dma_start3A_159 = tpu.memref_squeeze %dma_start3A_158 : memref<1x16x1024xf32, #tpu.memory_space<hbm>> -> memref<16x1024xf32, #tpu.memory_space<hbm>>
      tpu.enqueue_dma source(%arg8 : memref<16x1024xf32, #tpu.memory_space<vmem>>) target(%dma_start3A_159 : memref<16x1024xf32, #tpu.memory_space<hbm>>) target_semaphore(%arg16 : memref<!tpu.dma_semaphore, #tpu.memory_space<semaphore_mem>>)
      %mul3A_160 = arith.constant 4 : i32
      %mul3A_161 = arith.muli %mul3A_160, %scan3A_61 : i32
      %add3A_162 = arith.constant 3 : i32
      %add3A_163 = arith.addi %mul3A_161, %add3A_162 : i32
      %ge3A_164 = arith.constant 2 : i32
      %ge3A_165 = arith.cmpi sge, %add3A_163, %ge3A_164 : i32
      %convert_element_type3A_166 = arith.extui %ge3A_165 : i1 to i32
      %cond3A_167 = arith.constant 0 : i32
      %cond3A_168 = arith.cmpi ne, %convert_element_type3A_166, %cond3A_167 : i32
      scf.if %cond3A_168 {
        %add3A_194 = arith.constant 2 : i32
        %add3A_195 = arith.addi %add3A_163, %add3A_194 : i32
        %sub3A_196 = arith.constant 4 : i32
        %sub3A_197 = arith.subi %add3A_195, %sub3A_196 : i32
        %mul3A_198 = arith.constant 16 : i32
        %mul3A_199 = arith.muli %sub3A_197, %mul3A_198 : i32
        %add3A_200 = arith.addi %select_n3A_32, %mul3A_199 : i32
        %dma_wait3A_201 = arith.constant 0 : i32
        %dma_wait3A_202 = tpu.memref_slice %arg4[%select_n3A, %add3A_200, %dma_wait3A_201] : memref<4x8192x1024xf32, #tpu.memory_space<hbm>> -> memref<1x16x1024xf32, #tpu.memory_space<hbm>>
        %dma_wait3A_203 = tpu.memref_squeeze %dma_wait3A_202 : memref<1x16x1024xf32, #tpu.memory_space<hbm>> -> memref<16x1024xf32, #tpu.memory_space<hbm>>
        %dma_wait3A_204 = arith.constant 0 : i32
        %dma_wait3A_205 = tpu.memref_slice %arg4[%select_n3A, %add3A_200, %dma_wait3A_204] : memref<4x8192x1024xf32, #tpu.memory_space<hbm>> -> memref<1x16x1024xf32, #tpu.memory_space<hbm>>
        %dma_wait3A_206 = tpu.memref_squeeze %dma_wait3A_205 : memref<1x16x1024xf32, #tpu.memory_space<hbm>> -> memref<16x1024xf32, #tpu.memory_space<hbm>>
        tpu.wait_dma2 semaphore(%arg15 : memref<!tpu.dma_semaphore, #tpu.memory_space<semaphore_mem>>) src(%arg7 : memref<16x1024xf32, #tpu.memory_space<vmem>>) dst(%dma_wait3A_206 : memref<16x1024xf32, #tpu.memory_space<hbm>>)
      } else {
      }
      %add3A_169 = arith.constant 2 : i32
      %add3A_170 = arith.addi %add3A_163, %add3A_169 : i32
      %lt3A_171 = arith.constant 64 : i32
      %lt3A_172 = arith.cmpi slt, %add3A_170, %lt3A_171 : i32
      %convert_element_type3A_173 = arith.extui %lt3A_172 : i1 to i32
      %cond3A_174 = arith.constant 0 : i32
      %cond3A_175 = arith.cmpi ne, %convert_element_type3A_173, %cond3A_174 : i32
      scf.if %cond3A_175 {
        %add3A_194 = arith.constant 2 : i32
        %add3A_195 = arith.addi %add3A_163, %add3A_194 : i32
        %mul3A_196 = arith.constant 16 : i32
        %mul3A_197 = arith.muli %add3A_195, %mul3A_196 : i32
        %dma_start3A_198 = tpu.memref_slice %arg5[%mul3A_197] : memref<1024xi32, #tpu.memory_space<vmem>> -> memref<16xi32, #tpu.memory_space<vmem>>
        %dma_start3A_199 = arith.constant 0 : i32
        %dma_start3A_200 = arith.constant 0 : i32
        %dma_start3A_201 = tpu.memref_slice %arg3[%dma_start3A_199, %dma_start3A_200] : memref<50265x1024xf32, #tpu.memory_space<hbm>> -> memref<50265x1024xf32, #tpu.memory_space<hbm>>
        tpu.enqueue_indirect_dma source(%dma_start3A_201 : memref<50265x1024xf32, #tpu.memory_space<hbm>>) target(%arg7 : memref<16x1024xf32, #tpu.memory_space<vmem>>) offsets(%dma_start3A_198 : memref<16xi32, #tpu.memory_space<vmem>>) semaphore(%arg11 : memref<!tpu.dma_semaphore, #tpu.memory_space<semaphore_mem>>)
      } else {
      }
      %mul3A_176 = arith.constant 16 : i32
      %mul3A_177 = arith.muli %add3A_163, %mul3A_176 : i32
      %dma_wait3A_178 = tpu.memref_slice %arg5[%mul3A_177] : memref<1024xi32, #tpu.memory_space<vmem>> -> memref<16xi32, #tpu.memory_space<vmem>>
      %dma_wait3A_179 = arith.constant 0 : i32
      %dma_wait3A_180 = arith.constant 0 : i32
      %dma_wait3A_181 = tpu.memref_slice %arg3[%dma_wait3A_179, %dma_wait3A_180] : memref<50265x1024xf32, #tpu.memory_space<hbm>> -> memref<50265x1024xf32, #tpu.memory_space<hbm>>
      tpu.wait_indirect_dma semaphore(%arg13 : memref<!tpu.dma_semaphore, #tpu.memory_space<semaphore_mem>>) src(%dma_wait3A_181 : memref<50265x1024xf32, #tpu.memory_space<hbm>>) dst(%arg9 : memref<16x1024xf32, #tpu.memory_space<vmem>>)
      %parallel_loop3A_182 = arith.constant 0 : i32
      %parallel_loop3A_183 = arith.constant 16 : i32
      %parallel_loop3A_184 = arith.constant 1 : i32
      scf.for %parallel_loop3A_194 = %parallel_loop3A_182 to %parallel_loop3A_183 step %parallel_loop3A_184  : i32 {
        %parallel_loop3A_195 = arith.constant 0 : i32
        %parallel_loop3A_196 = arith.constant 1024 : i32
        %parallel_loop3A_197 = arith.constant 16 : i32
        scf.for %parallel_loop3A_198 = %parallel_loop3A_195 to %parallel_loop3A_196 step %parallel_loop3A_197  : i32 {
          %parallel_loop3A_199 = arith.index_cast %parallel_loop3A_194 : i32 to index
          %parallel_loop3A_200 = arith.index_cast %parallel_loop3A_198 : i32 to index
          %parallel_loop3A_201 = tpu.vector_load %arg9[%parallel_loop3A_199, %parallel_loop3A_200] {strides = array<i32>} : memref<16x1024xf32, #tpu.memory_space<vmem>>, vector<1x16xf32>,
          %parallel_loop3A_202 = vector.shape_cast %parallel_loop3A_201 : vector<1x16xf32> to vector<16xf32>
          %parallel_loop3A_203 = arith.constant 3.200000e+01 : f32
          %parallel_loop3A_204 = vector.broadcast %parallel_loop3A_203 : f32 to vector<16xf32>
          %parallel_loop3A_205 = arith.mulf %parallel_loop3A_202, %parallel_loop3A_204 : vector<16xf32>
          %parallel_loop3A_206 = arith.index_cast %parallel_loop3A_194 : i32 to index
          %parallel_loop3A_207 = arith.index_cast %parallel_loop3A_198 : i32 to index
          %parallel_loop3A_208 = tpu.vector_load %arg9[%parallel_loop3A_206, %parallel_loop3A_207] {strides = array<i32>} : memref<16x1024xf32, #tpu.memory_space<vmem>>, vector<1x16xf32>,
          %parallel_loop3A_209 = vector.shape_cast %parallel_loop3A_208 : vector<1x16xf32> to vector<16xf32>
          %parallel_loop3A_210 = vector.shape_cast %parallel_loop3A_205 : vector<16xf32> to vector<1x16xf32>
          tpu.vector_store %arg9[%parallel_loop3A_206, %parallel_loop3A_207], %parallel_loop3A_210 {strides = array<i32>} : memref<16x1024xf32, #tpu.memory_space<vmem>>, vector<1x16xf32>,
        } {sc.loop_unroll_factor = 8 : i64, sc.parallel_access}
      } {sc.loop_unroll_factor = 1 : i64, sc.parallel_access}
      %mul3A_185 = arith.constant 16 : i32
      %mul3A_186 = arith.muli %add3A_163, %mul3A_185 : i32
      %add3A_187 = arith.addi %select_n3A_32, %mul3A_186 : i32
      %dma_start3A_188 = arith.constant 0 : i32
      %dma_start3A_189 = tpu.memref_slice %arg4[%select_n3A, %add3A_187, %dma_start3A_188] : memref<4x8192x1024xf32, #tpu.memory_space<hbm>> -> memref<1x16x1024xf32, #tpu.memory_space<hbm>>
      %dma_start3A_190 = tpu.memref_squeeze %dma_start3A_189 : memref<1x16x1024xf32, #tpu.memory_space<hbm>> -> memref<16x1024xf32, #tpu.memory_space<hbm>>
      %dma_start3A_191 = arith.constant 0 : i32
      %dma_start3A_192 = tpu.memref_slice %arg4[%select_n3A, %add3A_187, %dma_start3A_191] : memref<4x8192x1024xf32, #tpu.memory_space<hbm>> -> memref<1x16x1024xf32, #tpu.memory_space<hbm>>
      %dma_start3A_193 = tpu.memref_squeeze %dma_start3A_192 : memref<1x16x1024xf32, #tpu.memory_space<hbm>> -> memref<16x1024xf32, #tpu.memory_space<hbm>>
      tpu.enqueue_dma source(%arg9 : memref<16x1024xf32, #tpu.memory_space<vmem>>) target(%dma_start3A_193 : memref<16x1024xf32, #tpu.memory_space<hbm>>) target_semaphore(%arg17 : memref<!tpu.dma_semaphore, #tpu.memory_space<semaphore_mem>>)
    }
    %scan3A_45 = arith.constant 16 : i32
    %add3A_46 = arith.constant 992 : i32
    %add3A_47 = arith.addi %select_n3A_32, %add3A_46 : i32
    %dma_wait3A = arith.constant 0 : i32
    %dma_wait3A_48 = tpu.memref_slice %arg4[%select_n3A, %add3A_47, %dma_wait3A] : memref<4x8192x1024xf32, #tpu.memory_space<hbm>> -> memref<1x16x1024xf32, #tpu.memory_space<hbm>>
    %dma_wait3A_49 = tpu.memref_squeeze %dma_wait3A_48 : memref<1x16x1024xf32, #tpu.memory_space<hbm>> -> memref<16x1024xf32, #tpu.memory_space<hbm>>
    %dma_wait3A_50 = arith.constant 0 : i32
    %dma_wait3A_51 = tpu.memref_slice %arg4[%select_n3A, %add3A_47, %dma_wait3A_50] : memref<4x8192x1024xf32, #tpu.memory_space<hbm>> -> memref<1x16x1024xf32, #tpu.memory_space<hbm>>
    %dma_wait3A_52 = tpu.memref_squeeze %dma_wait3A_51 : memref<1x16x1024xf32, #tpu.memory_space<hbm>> -> memref<16x1024xf32, #tpu.memory_space<hbm>>
    tpu.wait_dma2 semaphore(%arg16 : memref<!tpu.dma_semaphore, #tpu.memory_space<semaphore_mem>>) src(%arg8 : memref<16x1024xf32, #tpu.memory_space<vmem>>) dst(%dma_wait3A_52 : memref<16x1024xf32, #tpu.memory_space<hbm>>)
    %add3A_53 = arith.constant 1008 : i32
    %add3A_54 = arith.addi %select_n3A_32, %add3A_53 : i32
    %dma_wait3A_55 = arith.constant 0 : i32
    %dma_wait3A_56 = tpu.memref_slice %arg4[%select_n3A, %add3A_54, %dma_wait3A_55] : memref<4x8192x1024xf32, #tpu.memory_space<hbm>> -> memref<1x16x1024xf32, #tpu.memory_space<hbm>>
    %dma_wait3A_57 = tpu.memref_squeeze %dma_wait3A_56 : memref<1x16x1024xf32, #tpu.memory_space<hbm>> -> memref<16x1024xf32, #tpu.memory_space<hbm>>
    %dma_wait3A_58 = arith.constant 0 : i32
    %dma_wait3A_59 = tpu.memref_slice %arg4[%select_n3A, %add3A_54, %dma_wait3A_58] : memref<4x8192x1024xf32, #tpu.memory_space<hbm>> -> memref<1x16x1024xf32, #tpu.memory_space<hbm>>
    %dma_wait3A_60 = tpu.memref_squeeze %dma_wait3A_59 : memref<1x16x1024xf32, #tpu.memory_space<hbm>> -> memref<16x1024xf32, #tpu.memory_space<hbm>>
    tpu.wait_dma2 semaphore(%arg17 : memref<!tpu.dma_semaphore, #tpu.memory_space<semaphore_mem>>) src(%arg9 : memref<16x1024xf32, #tpu.memory_space<vmem>>) dst(%dma_wait3A_60 : memref<16x1024xf32, #tpu.memory_space<hbm>>)
    return
  }
}

</mosaic_0001>

<sc_bundles>
// kernel: kernel.3.cloned.1.call-start
scs
__scs_entry_jumppad:
0x0: {  	(pc) =	sbr.rel $0x88, $3  }
0x1: {  	(tag) =	ssettag $0x0;
	lr =	simm.s32 $0x1  }
0x2: {  	[smem:$0x3F9F] =	sst lr;
	_ =	strace $0xD0000000  }
0x3: {  	_ = 	snop  }
0x4: {  	_ = 	snop  }
0x5: {  	_ = 	snop  }
0x6: {  	_ = 	snop  }
0x7: {  	_ = 	snop  }
__scs_overlays_trampoline_lowered:
0x8: {  	[smem:$0x3FAE] =	sst s0  }
0x9: {  	[smem:$0x3FAF] =	sst s1  }
0xa: {  	[smem:$0x3FB0] =	sst s2  }
0xb: {  	[smem:$0x3FB1] =	sst s3  }
0xc: {  	[smem:$0x3FB2] =	sst s4  }
0xd: {  	[smem:$0x3FB3] =	sst s5  }
0xe: {  	[smem:$0x3FB4] =	sst s6  }
0xf: {  	[smem:$0x3FB5] =	sst s7  }
0x10: {  	[smem:$0x3FB6] =	sst s8  }
0x11: {  	[smem:$0x3FB7] =	sst s9;
	s0 =	simm.s32 @!p0 $0x0  }
0x12: {  	s1 =	sld [smem:$0x3F9D];
	s0 =	simm.s32 @p0 $0x1  }
0x13: {  	[smem:$0x3FB8] =	sst s0;
	s0 =	simm.s32 @!p1 $0x0  }
0x14: {  	s2 =	sld [smem:$0x3F9C];
	s0 =	simm.s32 @p1 $0x1  }
0x15: {  	[smem:$0x3FB9] =	sst s0;
	s0 =	simm.s32 @!p2 $0x0  }
0x16: {  	s3 =	sld [smem:$0x3FDB];
	s0 =	simm.s32 @p2 $0x1  }
0x17: {  	s4 =	simm.s32 $0x1BF5;
	[smem:$0x3FBB] =	sst s0  }
0x18: {  	s0 =	sld [smem:$0x3F9E];
	_ =	swait.ge [sflag:s4], $0x0  }
0x19: {  	s7 =	sld [smem:$0x3F9F]  }
0x1a: {  	s8 =	sadd.s32 $0xFFFFE003, lr  }
0x1b: {  	s9 =	sadd.s32 $0xFFFFFEF7, lr;
	s5 =	simm.s32 $0xFFFFFFFF;
	p2 =	slt.u32 s8, $0xFFFFF086  }
0x1c: {  	p1 =	slt.u32 s9, $0xF7A;
	s5 =	simm.s32 @!p2 $0x0  }
0x1d: {  	s5 =	simm.s32 @p1 $0x1;
	p0 =	seq.s32 s7, s2  }
0x1e: {  	s7 =	smul.u32 @!p0 $0xF7A, s2;
	p2 =	seq.s32 @!p0 s5, $0x0  }
0x1f: {  	s9 =	smul.u32 $0xF7A, s1;
	s8 =	simm.s32 @!p0 $0x1BF5;
	p2 =	por !p2, p0  }
0x20: {  	[sflag:s8] =	ssyncset.s32 @!p0 $0xFFFFF086;
	s6 =	sadd.s32 @!p0 s3, s7;
	s7 =	simm.s32 @!p0 $0x108  }
0x21: {  	s3 =	sadd.s32 s3, s9;
	s6 =	sadd.s32 @!p0 $0x88, s6;
	s7 =	simm.s32 @p2 $0x1082  }
0x22: {  	[simem:s7], [sflag:s8] =	dma.local @!p0 [hbm:s6], $0xF7A  }
0x23: {  	s9 =	sor.u32 $0xD0000000, s2;
	s6 =	simm.s32 $0x108;
	_ =	swait.ge @!p0 [sflag:s8], $0x0  }
0x24: {  	s3 =	sadd.s32 $0x88, s3;
	s6 =	simm.s32 @!p1 $0x1082;
	[sflag:s4] =	ssyncset.s32 $0xFFFFF086  }
0x25: {  	[simem:s6], [sflag:s4] =	dma.local [hbm:s3], $0xF7A  }
0x26: {  	[smem:$0x3F9F] =	sst s1;
	(tag) =	ssettag s2;
	_ =	strace s9  }
0x27: {  	s1 =	sld [smem:$0x3FAF]  }
0x28: {  	s2 =	sld [smem:$0x3FB0]  }
0x29: {  	s4 =	sld [smem:$0x3FB2]  }
0x2a: {  	p0 =	seq.s32 s5, $0x0;
	s5 =	sld [smem:$0x3FB3]  }
0x2b: {  	s6 =	sld [smem:$0x3FB4]  }
0x2c: {  	s7 =	sld [smem:$0x3FB5]  }
0x2d: {  	s3 =	simm.s32 $0x108;
	s8 =	sld [smem:$0x3FB6]  }
0x2e: {  	s3 =	simm.s32 @!p0 $0x1082;
	s9 =	sld [smem:$0x3FB7]  }
0x2f: {  	lr =	sadd.s32 s0, s3;
	s0 =	sld [smem:$0x3FAE]  }
0x30: {  	s3 =	sld [smem:$0x3FB1]  }
0x31: {  	[smem:$0x3FBA] =	sst s10  }
0x32: {  	s10 =	sld [smem:$0x3FB8];
	_ =	sdelay $0x3  }
0x33: {  	p0 =	seq.s32 s10, $0x1;
	s10 =	sld [smem:$0x3FBA];
	_ =	sdelay $0x3  }
0x34: {  	[smem:$0x3FBA] =	sst s10  }
0x35: {  	s10 =	sld [smem:$0x3FB9];
	_ =	sdelay $0x3  }
0x36: {  	p1 =	seq.s32 s10, $0x1;
	s10 =	sld [smem:$0x3FBA];
	_ =	sdelay $0x3  }
0x37: {  	[smem:$0x3FBA] =	sst s10  }
0x38: {  	s10 =	sld [smem:$0x3FBB]  }
0x39: {  	_ = 	snop;
	(pc) =	sbr.ind lr, $3  }
0x3a: {  	_ = 	snop  }
0x3b: {  	_ = 	snop  }
0x3c: {  	p2 =	seq.s32 s10, $0x1;
	s10 =	sld [smem:$0x3FBA]  }
0x3d: {  	_ =	shalt  }
0x3e: {  	_ =	shalt  }
0x3f: {  	_ =	shalt  }
0x40: {  	_ =	shalt  }
0x41: {  	_ =	shalt  }
0x42: {  	_ =	shalt  }
0x43: {  	_ =	shalt  }
0x44: {  	_ =	shalt  }
0x45: {  	_ =	shalt  }
0x46: {  	_ =	shalt  }
0x47: {  	_ =	shalt  }
0x48: {  	_ =	shalt  }
0x49: {  	_ =	shalt  }
0x4a: {  	_ =	shalt  }
0x4b: {  	_ =	shalt  }
0x4c: {  	_ =	shalt  }
0x4d: {  	_ =	shalt  }
0x4e: {  	_ =	shalt  }
0x4f: {  	_ =	shalt  }
0x50: {  	_ =	shalt  }
0x51: {  	_ =	shalt  }
0x52: {  	_ =	shalt  }
0x53: {  	_ =	shalt  }
0x54: {  	_ =	shalt  }
0x55: {  	_ =	shalt  }
0x56: {  	_ =	shalt  }
0x57: {  	_ =	shalt  }
0x58: {  	_ =	shalt  }
0x59: {  	_ =	shalt  }
0x5a: {  	_ =	shalt  }
0x5b: {  	_ =	shalt  }
0x5c: {  	_ =	shalt  }
0x5d: {  	_ =	shalt  }
0x5e: {  	_ =	shalt  }
0x5f: {  	_ =	shalt  }
0x60: {  	_ =	shalt  }
0x61: {  	_ =	shalt  }
0x62: {  	_ =	shalt  }
0x63: {  	_ =	shalt  }
0x64: {  	_ =	shalt  }
0x65: {  	_ =	shalt  }
0x66: {  	_ =	shalt  }
0x67: {  	_ =	shalt  }
0x68: {  	_ =	shalt  }
0x69: {  	_ =	shalt  }
0x6a: {  	_ =	shalt  }
0x6b: {  	_ =	shalt  }
0x6c: {  	_ =	shalt  }
0x6d: {  	_ =	shalt  }
0x6e: {  	_ =	shalt  }
0x6f: {  	_ =	shalt  }
0x70: {  	_ =	shalt  }
0x71: {  	_ =	shalt  }
0x72: {  	_ =	shalt  }
0x73: {  	_ =	shalt  }
0x74: {  	_ =	shalt  }
0x75: {  	_ =	shalt  }
0x76: {  	_ =	shalt  }
0x77: {  	_ =	shalt  }
0x78: {  	_ =	shalt  }
0x79: {  	_ =	shalt  }
0x7a: {  	_ =	shalt  }
0x7b: {  	_ =	shalt  }
0x7c: {  	_ =	shalt  }
0x7d: {  	_ =	shalt  }
0x7e: {  	_ =	shalt  }
0x7f: {  	_ =	shalt  }
0x80: {  	_ =	shalt  }
0x81: {  	_ =	shalt  }
0x82: {  	_ =	shalt  }
0x83: {  	_ =	shalt  }
0x84: {  	_ =	shalt  }
0x85: {  	_ =	shalt  }
0x86: {  	_ =	shalt  }
0x87: {  	_ =	shalt  }
.Lfunc_end0:
.L_simem_size_0:
called_computation_lowered:
.L_overlay_start_0:
0x88: {  	s2 =	sld [smem:$0x3FD9]  }
0x89: {  	s3 =	sld [smem:$0x3FFE];
	_ =	sdelay $0x1  }
0x8a: {  	s1 =	srdreg.scid  }
0x8b: {  	s0 =	sand.u32 $0x1, s1  }
0x8c: {  	s18 =	sshll.u32 s0, $0xA;
	s2 =	sadd.s32 s3, s2  }
0x8d: {  	s2 =	sadd.s32 s2, s18  }
0x8e: {  	[smem:$0x3FC6] =	sst s2  }
0x8f: {  	_ = 	snop  }
0x90: {  	s2 =	sld [smem:$0x3FC9]  }
0x91: {  	s19 =	sld [smem:$0x3FC8]  }
0x92: {  	s4 =	sld [smem:$0x3FD0];
	(tm) =	ssettm $0x1  }
0x93: {  	s5 =	sld [smem:$0x3FFB];
	_ =	sdelay $0x3  }
0x94: {  	_ =	strace s5  }
0x95: {  	s5 =	sld [smem:$0x3FFC];
	_ =	sdelay $0x3  }
0x96: {  	_ =	strace s5  }
0x97: {  	s5 =	sld [smem:$0x3FFD];
	_ =	sdelay $0x3  }
0x98: {  	_ =	strace s5  }
0x99: {  	_ =	strace $0x8FFFFFFF  }
0x9a: {  	s20 =	sld [smem:$0x3FDB];
	_ =	sdelay $0x1  }
0x9b: {  	s6 =	simm.s32 $_scs_section_size  }
0x9c: {  	s7 =	simm.s32 $_size__tile_overlayer_lowered;
	s8 =	simm.s32 $_tile_overlayer_lowered  }
0x9d: {  	s23 =	simm.s32 $0x1BFF;
	s22 =	sshll.u32 s8, $0x1;
	s5 =	sadd.s32 s6, s20  }
0x9e: {  	s9 =	simm.s32 $0x0;
	s21 =	sshll.u32 s7, $0x1;
	s7 =	sadd.s32 s22, s5  }
0x9f: {  	[timem:s9], [sflag:s23] =	dma.local [hbm:s7], s21  }
0xa0: {  	_ =	swait.ge [sflag:s23], s21  }
0xa1: {  	s6 =	ssub.s32 $0x0, s21;
	[sflag:s23] =	ssyncset.done $0x0  }
0xa2: {  	[sflag:s23] =	ssyncadd.s32 s6;
	_ =	sdelay $0x1  }
0xa3: {  	s24 =	simm.s32 $0x1B8B  }
0xa4: {  	_ =	swait.ge [sflag:s24], $0x1  }
0xa5: {  	[sflag:s24] =	ssyncset.done $0x0  }
0xa6: {  	s25 =	simm.s32 $0x1B8E;
	[sflag:s24] =	ssyncadd.s32 $0xFFFFFFFF  }
0xa7: {  	s26 =	simm.s32 $execute0_lowered;
	[smem:$0x3FD2] =	sst s25  }
0xa8: {  	s6 =	sshll.u32 s26, $0x1;
	_ =	strace $0x80000046;
	[dreg:$0x1] =	wrdreg $0xFFFFFFFF  }
0xa9: {  	s28 =	simm.s32 $_size_execute0_lowered;
	s5 =	sadd.s32 s5, s6;
	[dreg:$0x0] =	wrdreg $0x0  }
0xaa: {  	s6 =	sshll.u32 s28, $0x1;
	[dreg:$0x2] =	wrdreg s5  }
0xab: {  	[dreg:$0x3] =	wrdreg s6  }
0xac: {  	[dreg:$0x4] =	wrdreg $0xC0  }
0xad: {  	_ =	task [dreg:s9], $0x5FFFF  }
0xae: {  	[dreg:$0x1] =	wrdreg $0xFFFFFFFF  }
0xaf: {  	[dreg:$0x0] =	wrdreg $0x60  }
0xb0: {  	[dreg:$0x2] =	wrdreg s2  }
0xb1: {  	[dreg:$0x3] =	wrdreg s19  }
0xb2: {  	[dreg:$0x4] =	wrdreg s4  }
0xb3: {  	[dreg:$0x5] =	wrdreg $0x9  }
0xb4: {  	_ =	task.clear_ibuf [dreg:s9], $0x6FFFF;
	_ =	strace $0x90000046  }
0xb5: {  	s29 =	simm.s32 $0x9;
	_ =	strace $0x80000048  }
0xb6: {  	_ =	swait.ge [sflag:s29], $0x1  }
0xb7: {  	[sflag:s29] =	ssyncadd.s32 $0xFFFFFFFF  }
0xb8: {  	_ =	strace $0x90000048  }
0xb9: {  	_ =	sfence  }
0xba: {  	s30 =	sld [smem:$0x0];
	_ =	sdelay $0x2  }
0xbb: {  	s31 =	sshll.u32 s1, $0xD;
	s1 =	sshrl.u32 s1, $0x2  }
0xbc: {  	s3 =	sand.u32 $0x4000, s31;
	s1 =	sadd.s32 s1, s30  }
0xbd: {  	s0 =	sor.u32 s3, s0;
	s1 =	sshll.u32 s1, $0x11  }
0xbe: {  	s0 =	sor.u32 s1, s0  }
0xbf: {  	s0 =	sadd.s32 $0x8F2B, s0  }
0xc0: {  	[sflag:s0] =	ssyncadd.remote.s32 $0x1  }
0xc1: {  	_ =	sfence.sel $0xFFFF  }
0xc2: {  	[dreg:$0x0] =	wrdreg $0xFFFFFFFF;
	(pc) =	sbr.abs _section_cstart, $3  }
0xc3: {  	[dreg:$0x1] =	wrdreg $0xFFFFFFFF  }
0xc4: {  	_ =	task.clear_ibuf [dreg:s9], $0x2FFFF;
	_ =	strace $0x9FFFFFFF  }
0xc5: {  	(tm) =	ssettm $0x7FFFFFFF  }
tec
execute0_lowered:
.L_overlay_start_1:
0x0: {  	(tag) =	ssettag $0x1  }
0x1: {  	s0 =	rddreg [dreg:$0x0];
	s1 =	srdreg.scid  }
0x2: {  	s6 =	stileid.u32;
	s2 =	rddreg [dreg:$0x1]  }
0x3: {  	s3 =	rddreg [dreg:$0x2];
	s20 =	simm.s32 $0x1;
	s21 =	simm.s32 $0xC400  }
0x4: {  	s28 =	simm.s32 $0xEC00;
	s29 =	simm.s32 $0xF400;
	s30 =	simm.s32 $0xFC00  }
0x5: {  	s31 =	simm.s32 $0x2;
	s10 =	simm.s32 $0x3;
	s14 =	simm.s32 $0x6  }
0x6: {  	s15 =	simm.s32 $0x0;
	s1 =	sand.u32 $0x1, s1;
	s4 =	sshll.u32 s6, $0xB  }
0x7: {  	s8 =	sshrl.u32 s6, $0x2;
	s5 =	sshll.u32 s1, $0xA;
	s4 =	sand.u32 $0x1800, s4  }
0x8: {  	s7 =	sshll.u32 s8, $0x7;
	s1 =	ssub.s32 $0x2, s1;
	s25 =	sshll.u32 s8, $0x17  }
0x9: {  	s8 =	sadd.s32 $0x300, s2;
	s5 =	sor.u32 s5, s4;
	s4 =	simm.s32 $0x0  }
0xa: {  	s24 =	sshrl.u32 s1, $0x1;
	s23 =	sshll.u32 s5, $0x2;
	[smem:$0x7FF] =	sst s4  }
0xb: {  	s1 =	ssub.s32 s1, s24;
	s5 =	sshll.u32 s5, $0xA;
	s6 =	sor.u32 s7, s23  }
0xc: {  	_ =	strace $0x80000047;
	s7 =	sadd.s32 $0x200, s2;
	s9 =	sor.u32 s25, s5  }
0xd: {  	s26 =	smax.u32 s1, $0x1;
	s1 =	simm.s32 $0x8400;
	s25 =	simm.s32 $0xDC00  }
0xe: {  	v2 =	vlaneseq.u32;
	s5 =	simm.s32 $0x5;
	s6 =	sshrl.u32 s6, $0x3;
	[dreg:$0x5] =	wrdreg s26  }
0xf: {  	vm0 =	vmmov $0xffff;
	v1 =	vshrl.u32 v2, $0x3;
	s11 =	sor.u32 $0x4000, s9;
	s26 =	simm.s32 $0xE400;
	s0 =	sadd.s32 s0, s6  }
0x10: {  	v0 =	vand.u32 $0x7, v2;
	v2 =	vor.u32 $0x8, v2;
	v1 =	vmul.u32 $0x8, v1;
	s6 =	sadd.s32 $0x100, s2;
	[dreg:$0x4] =	wrdreg s0;
	s0 =	simm.s32 $0x4  }
.LBB2_1:
0x11: {  	[dreg:$0x6] =	wrdreg s15  }
0x12: {  	s12 =	rddreg [dreg:$0x4]  }
0x13: {  	s13 =	simm.s32 $0x80;
	s24 =	simm.s32 $0x200;
	s15 =	simm.s32 $0x9  }
0x14: {  	[tilespmem:s4], [sflag:$0x9] =	stream.strided.gather [hbm4b:s12+s13], $0x400, s24, s13, $0x38;
	[tilespmem:$0x10400] =	vst v63  }
0x15: {  	_ =	swait.ge [sflag:s15], $0x400  }
0x16: {  	[sflag:s15] =	ssyncset.done $0x0  }
0x17: {  	[sflag:s15] =	ssyncadd.s32 $0xFFFFFC00  }
0x18: {  	v3 =	vld [tilespmem:$0x0];
	_ =	sdelay $0x4  }
0x19: {  	v4 =	vshll.u32 v3, $0x3  }
0x1a: {  	v3 =	vand.u32 $0x7, v3;
	v4 =	vand.u32 $0xFFFFFFC0, v4  }
0x1b: {  	v3 =	vor.u32 v3, v4  }
0x1c: {  	v4 =	vperm.xlane v3, v0;
	_ =	sdelay $0x1  }
0x1d: {  	v4 =	vadd.s32 v1, v4;
	_ =	sdelay $0x3  }
0x1e: {  	s16 =	simm.s32 $0x400  }
0x1f: {  	[tilespmem:s16], [sflag:$0x1] =	stream.indirect_vreg.gather [hbm4b:s2+s4], $0x80, v4, vm0, $0xb8;
	[tilespmem:$0x10400] =	vst v63  }
0x20: {  	s17 =	simm.s32 $0xC00;
	v3 =	vperm.xlane v3, v2  }
0x21: {  	[tilespmem:s17], [sflag:$0x1] =	stream.indirect_vreg.gather [hbm4b:s6+s4], $0x80, v4, vm0, $0xb8;
	[tilespmem:$0x10400] =	vst v63  }
0x22: {  	s18 =	simm.s32 $0x1400;
	v3 =	vadd.s32 v1, v3  }
0x23: {  	[tilespmem:s18], [sflag:$0x1] =	stream.indirect_vreg.gather [hbm4b:s7+s4], $0x80, v4, vm0, $0xb8;
	[tilespmem:$0x10400] =	vst v63  }
0x24: {  	s19 =	simm.s32 $0x1C00  }
0x25: {  	[tilespmem:s19], [sflag:$0x1] =	stream.indirect_vreg.gather [hbm4b:s8+s4], $0x80, v4, vm0, $0xb8;
	[tilespmem:$0x10400] =	vst v63  }
0x26: {  	s22 =	simm.s32 $0x2400  }
0x27: {  	[tilespmem:s22], [sflag:$0x1] =	stream.indirect_vreg.gather [hbm4b:s2+s4], $0x80, v3, vm0, $0xb8;
	[tilespmem:$0x10400] =	vst v63  }
0x28: {  	s23 =	simm.s32 $0x2C00  }
0x29: {  	[tilespmem:s23], [sflag:$0x1] =	stream.indirect_vreg.gather [hbm4b:s6+s4], $0x80, v3, vm0, $0xb8;
	[tilespmem:$0x10400] =	vst v63  }
0x2a: {  	s24 =	simm.s32 $0x3400  }
0x2b: {  	[tilespmem:s24], [sflag:$0x1] =	stream.indirect_vreg.gather [hbm4b:s7+s4], $0x80, v3, vm0, $0xb8;
	[tilespmem:$0x10400] =	vst v63  }
0x2c: {  	s13 =	simm.s32 $0x3C00  }
0x2d: {  	[tilespmem:s13], [sflag:$0x1] =	stream.indirect_vreg.gather [hbm4b:s8+s4], $0x80, v3, vm0, $0xb8;
	[tilespmem:$0x10400] =	vst v63  }
0x2e: {  	v3 =	vld [tilespmem:$0x10];
	_ =	sdelay $0x4  }
0x2f: {  	v63 =	vshll.u32 v3, $0x3  }
0x30: {  	v3 =	vand.u32 $0x7, v3;
	v4 =	vand.u32 $0xFFFFFFC0, v63  }
0x31: {  	v3 =	vor.u32 v3, v4  }
0x32: {  	v4 =	vperm.xlane v3, v0;
	_ =	sdelay $0x1  }
0x33: {  	v4 =	vadd.s32 v1, v4;
	_ =	sdelay $0x3  }
0x34: {  	s15 =	simm.s32 $0x4400  }
0x35: {  	[tilespmem:s15], [sflag:$0x2] =	stream.indirect_vreg.gather [hbm4b:s2+s4], $0x80, v4, vm0, $0xb8;
	[tilespmem:$0x10400] =	vst v63  }
0x36: {  	s16 =	simm.s32 $0x4C00;
	v3 =	vperm.xlane v3, v2  }
0x37: {  	[tilespmem:s16], [sflag:$0x2] =	stream.indirect_vreg.gather [hbm4b:s6+s4], $0x80, v4, vm0, $0xb8;
	[tilespmem:$0x10400] =	vst v63  }
0x38: {  	s17 =	simm.s32 $0x5400;
	v3 =	vadd.s32 v1, v3  }
0x39: {  	[tilespmem:s17], [sflag:$0x2] =	stream.indirect_vreg.gather [hbm4b:s7+s4], $0x80, v4, vm0, $0xb8;
	[tilespmem:$0x10400] =	vst v63  }
0x3a: {  	s18 =	simm.s32 $0x5C00  }
0x3b: {  	[tilespmem:s18], [sflag:$0x2] =	stream.indirect_vreg.gather [hbm4b:s8+s4], $0x80, v4, vm0, $0xb8;
	[tilespmem:$0x10400] =	vst v63  }
0x3c: {  	s19 =	simm.s32 $0x6400  }
0x3d: {  	[tilespmem:s19], [sflag:$0x2] =	stream.indirect_vreg.gather [hbm4b:s2+s4], $0x80, v3, vm0, $0xb8;
	[tilespmem:$0x10400] =	vst v63  }
0x3e: {  	s22 =	simm.s32 $0x6C00  }
0x3f: {  	[tilespmem:s22], [sflag:$0x2] =	stream.indirect_vreg.gather [hbm4b:s6+s4], $0x80, v3, vm0, $0xb8;
	[tilespmem:$0x10400] =	vst v63  }
0x40: {  	s23 =	simm.s32 $0x7400  }
0x41: {  	[tilespmem:s23], [sflag:$0x2] =	stream.indirect_vreg.gather [hbm4b:s7+s4], $0x80, v3, vm0, $0xb8;
	[tilespmem:$0x10400] =	vst v63  }
0x42: {  	s12 =	simm.s32 $0x0;
	s24 =	simm.s32 $0x7C00  }
0x43: {  	[tilespmem:s24], [sflag:$0x2] =	stream.indirect_vreg.gather [hbm4b:s8+s4], $0x80, v3, vm0, $0xb8;
	[tilespmem:$0x10400] =	vst v63  }
.LBB2_2:
0x44: {  	p0 =	seq.s32 s12, $0x0  }
0x45: {  	s15 =	sshll.u32 s12, $0x2;
	s16 =	simm.s32 @!p0 $0x7  }
0x46: {  	s13 =	sor.u32 $0x2, s15;
	_ =	swait.ge @!p0 [sflag:s16], $0x4000  }
0x47: {  	s17 =	sshll.u32 s13, $0x4;
	[sflag:s16] =	ssyncset.done @!p0 $0x0  }
0x48: {  	s22 =	sand.u32 $0x3FFFFFF0, s17;
	[sflag:s16] =	ssyncadd.s32 @!p0 $0xFFFFC000  }
0x49: {  	v3 =	vld [tilespmem:s22+$0x0];
	_ =	sdelay $0x4  }
0x4a: {  	v4 =	vshll.u32 v3, $0x3  }
0x4b: {  	v3 =	vand.u32 $0x7, v3;
	v4 =	vand.u32 $0xFFFFFFC0, v4  }
0x4c: {  	v3 =	vor.u32 v3, v4  }
0x4d: {  	v4 =	vperm.xlane v3, v0;
	_ =	sdelay $0x1  }
0x4e: {  	v4 =	vadd.s32 v1, v4;
	_ =	sdelay $0x3  }
0x4f: {  	s16 =	simm.s32 $0x0  }
0x50: {  	[tilespmem:s1], [sflag:$0x3] =	stream.indirect_vreg.gather [hbm4b:s2+s16], $0x80, v4, vm0, $0xb8;
	[tilespmem:$0x10400] =	vst v63  }
0x51: {  	s23 =	simm.s32 $0x8C00;
	v3 =	vperm.xlane v3, v2  }
0x52: {  	[tilespmem:s23], [sflag:$0x3] =	stream.indirect_vreg.gather [hbm4b:s6+s16], $0x80, v4, vm0, $0xb8;
	[tilespmem:$0x10400] =	vst v63  }
0x53: {  	s24 =	simm.s32 $0x9400;
	v3 =	vadd.s32 v1, v3  }
0x54: {  	[tilespmem:s24], [sflag:$0x3] =	stream.indirect_vreg.gather [hbm4b:s7+s16], $0x80, v4, vm0, $0xb8;
	[tilespmem:$0x10400] =	vst v63  }
0x55: {  	s18 =	simm.s32 $0x9C00  }
0x56: {  	[tilespmem:s18], [sflag:$0x3] =	stream.indirect_vreg.gather [hbm4b:s8+s16], $0x80, v4, vm0, $0xb8;
	[tilespmem:$0x10400] =	vst v63  }
0x57: {  	s19 =	simm.s32 $0xA400  }
0x58: {  	[tilespmem:s19], [sflag:$0x3] =	stream.indirect_vreg.gather [hbm4b:s2+s16], $0x80, v3, vm0, $0xb8;
	[tilespmem:$0x10400] =	vst v63  }
0x59: {  	s22 =	simm.s32 $0xAC00  }
0x5a: {  	[tilespmem:s22], [sflag:$0x3] =	stream.indirect_vreg.gather [hbm4b:s6+s16], $0x80, v3, vm0, $0xb8;
	[tilespmem:$0x10400] =	vst v63  }
0x5b: {  	s23 =	simm.s32 $0xB400  }
0x5c: {  	[tilespmem:s23], [sflag:$0x3] =	stream.indirect_vreg.gather [hbm4b:s7+s16], $0x80, v3, vm0, $0xb8;
	[tilespmem:$0x10400] =	vst v63  }
0x5d: {  	s24 =	simm.s32 $0xBC00  }
0x5e: {  	[tilespmem:s24], [sflag:$0x3] =	stream.indirect_vreg.gather [hbm4b:s8+s16], $0x80, v3, vm0, $0xb8;
	[tilespmem:$0x10400] =	vst v63  }
0x5f: {  	_ =	swait.ge [sflag:s20], $0x4000  }
0x60: {  	[sflag:s20] =	ssyncset.done $0x0  }
0x61: {  	s17 =	simm.s32 $0x0;
	s18 =	simm.s32 $0x0;
	[sflag:s20] =	ssyncadd.s32 $0xFFFFC000  }
.LBB2_3:
0x62: {  	s19 =	sshll.u32 s17, $0x2;
	s22 =	sand.u32 $0x7, s16  }
0x63: {  	s19 =	sand.u32 $0xFFFF8000, s19;
	s22 =	sshll.u32 s22, $0x9  }
0x64: {  	s19 =	sor.u32 s22, s19  }
0x65: {  	s19 =	sshrl.u32 s19, $0x2  }
0x66: {  	s19 =	sor.u32 $0x440, s19  }
0x67: {  	v5 =	vld [tilespmem:s19+$0x30]  }
0x68: {  	v7 =	vld [tilespmem:s19+$0xFFFFFFD0]  }
0x69: {  	v9 =	vld [tilespmem:s19+$0xFFFFFFE0]  }
0x6a: {  	v6 =	vld [tilespmem:s19+$0xFFFFFFF0]  }
0x6b: {  	v4 =	vld [tilespmem:s19+$0x0]  }
0x6c: {  	v3 =	vld [tilespmem:s19+$0x10];
	v10 =	vmul.f32 $3.200000000e+01, v5  }
0x6d: {  	v5 =	vld [tilespmem:s19+$0x20];
	v8 =	vmul.f32 $3.200000000e+01, v7  }
0x6e: {  	s22 =	simm.s32 $0x0;
	s23 =	sadd.s32 $0x400, s19;
	v7 =	vld [tilespmem:s19+$0xFFFFFFC0];
	v9 =	vmul.f32 $3.200000000e+01, v9;
	[tilespmem:s19+$0x30] =	vst v10  }
.LBB2_4:
0x6f: {  	v10 =	vld [tilespmem:s23+$0x30];
	s22 =	sadd.s32 $0x80, s22;
	[tilespmem:s19+$0xFFFFFFD0] =	vst v8;
	v6 =	vmul.f32 $3.200000000e+01, v6  }
0x70: {  	v8 =	vld [tilespmem:s23+$0xFFFFFFD0];
	p1 =	slt.u32 s22, $0x380;
	[tilespmem:s19+$0xFFFFFFE0] =	vst v9;
	v4 =	vmul.f32 $3.200000000e+01, v4  }
0x71: {  	v9 =	vld [tilespmem:s23+$0xFFFFFFE0];
	[tilespmem:s19+$0xFFFFFFF0] =	vst v6;
	v3 =	vmul.f32 $3.200000000e+01, v3  }
.Ltmp0:
0x72: {  	v6 =	vld [tilespmem:s23+$0xFFFFFFF0];
	[tilespmem:s19+$0x0] =	vst v4;
	v5 =	vmul.f32 $3.200000000e+01, v5;
	(pc) =	sbr.rel @p1 .LBB2_4-.Ltmp0, $4  }
0x73: {  	v4 =	vld [tilespmem:s23+$0x0];
	v7 =	vmul.f32 $3.200000000e+01, v7;
	[tilespmem:s19+$0x10] =	vst v3  }
0x74: {  	v3 =	vld [tilespmem:s23+$0x10];
	v10 =	vmul.f32 $3.200000000e+01, v10;
	[tilespmem:s19+$0x20] =	vst v5  }
0x75: {  	v8 =	vmul.f32 $3.200000000e+01, v8;
	v5 =	vld [tilespmem:s23+$0x20];
	[tilespmem:s19+$0xFFFFFFC0] =	vst v7;
	s19 =	smov.u32 s23  }
0x76: {  	s23 =	sadd.s32 $0x400, s23;
	v7 =	vld [tilespmem:s19+$0xFFFFFFC0];
	v9 =	vmul.f32 $3.200000000e+01, v9;
	[tilespmem:s19+$0x30] =	vst v10  }
0x77: {  	[tilespmem:s19+$0xFFFFFFD0] =	vst v8;
	v6 =	vmul.f32 $3.200000000e+01, v6;
	s18 =	sadd.s32 $0x1, s18  }
0x78: {  	[tilespmem:s19+$0xFFFFFFE0] =	vst v9;
	v4 =	vmul.f32 $3.200000000e+01, v4;
	p1 =	sne.s32 s18, $0x10  }
.Ltmp1:
0x79: {  	[tilespmem:s19+$0xFFFFFFF0] =	vst v6;
	v3 =	vmul.f32 $3.200000000e+01, v3;
	(pc) =	sbr.rel @p1 .LBB2_3-.Ltmp1, $4  }
0x7a: {  	[tilespmem:s19+$0x0] =	vst v4;
	v62 =	vmul.f32 $3.200000000e+01, v5  }
0x7b: {  	v63 =	vmul.f32 $3.200000000e+01, v7;
	[tilespmem:s19+$0x10] =	vst v3  }
0x7c: {  	[tilespmem:s19+$0x20] =	vst v62  }
0x7d: {  	s17 =	sadd.s32 $0x400, s17;
	s16 =	sadd.s32 $0x1, s16;
	[tilespmem:s19+$0xFFFFFFC0] =	vst v63  }
0x7e: {  	s16 =	sshll.u32 s12, $0x10  }
0x7f: {  	s17 =	sadd.s32 s9, s16  }
0x80: {  	s17 =	sshrl.u32 s17, $0x3  }
0x81: {  	s18 =	simm.s32 $0x400;
	s17 =	sadd.s32 s3, s17  }
0x82: {  	[hbm4b:s17+s4] =	stream.linear.scatter [tilespmem:s18], [sflag:$0x5], $0x4000, $0x38;
	[tilespmem:$0x10400] =	vst v63  }
0x83: {  	s17 =	simm.s32 @!p0 $0x8  }
0x84: {  	s15 =	sor.u32 $0x3, s15;
	_ =	swait.ge @!p0 [sflag:s17], $0x4000  }
0x85: {  	s19 =	sshll.u32 s15, $0x4;
	[sflag:s17] =	ssyncset.done @!p0 $0x0  }
0x86: {  	s22 =	sand.u32 $0x3FFFFFF0, s19;
	[sflag:s17] =	ssyncadd.s32 @!p0 $0xFFFFC000  }
0x87: {  	v3 =	vld [tilespmem:s22+$0x0];
	_ =	sdelay $0x4  }
0x88: {  	v4 =	vshll.u32 v3, $0x3  }
0x89: {  	v3 =	vand.u32 $0x7, v3;
	v4 =	vand.u32 $0xFFFFFFC0, v4  }
0x8a: {  	v3 =	vor.u32 v3, v4  }
0x8b: {  	v4 =	vperm.xlane v3, v0;
	_ =	sdelay $0x1  }
0x8c: {  	v4 =	vadd.s32 v1, v4;
	_ =	sdelay $0x3  }
0x8d: {  	s17 =	simm.s32 $0x0  }
0x8e: {  	[tilespmem:s21], [sflag:$0x4] =	stream.indirect_vreg.gather [hbm4b:s2+s17], $0x80, v4, vm0, $0xb8;
	[tilespmem:$0x10400] =	vst v63  }
0x8f: {  	s23 =	simm.s32 $0xCC00;
	v3 =	vperm.xlane v3, v2  }
0x90: {  	[tilespmem:s23], [sflag:$0x4] =	stream.indirect_vreg.gather [hbm4b:s6+s17], $0x80, v4, vm0, $0xb8;
	[tilespmem:$0x10400] =	vst v63  }
0x91: {  	s24 =	simm.s32 $0xD400;
	v3 =	vadd.s32 v1, v3  }
0x92: {  	[tilespmem:s24], [sflag:$0x4] =	stream.indirect_vreg.gather [hbm4b:s7+s17], $0x80, v4, vm0, $0xb8;
	[tilespmem:$0x10400] =	vst v63  }
0x93: {  	_ = 	snop  }
0x94: {  	[tilespmem:s25], [sflag:$0x4] =	stream.indirect_vreg.gather [hbm4b:s8+s17], $0x80, v4, vm0, $0xb8;
	[tilespmem:$0x10400] =	vst v63  }
0x95: {  	_ = 	snop  }
0x96: {  	[tilespmem:s26], [sflag:$0x4] =	stream.indirect_vreg.gather [hbm4b:s2+s17], $0x80, v3, vm0, $0xb8;
	[tilespmem:$0x10400] =	vst v63  }
0x97: {  	_ = 	snop  }
0x98: {  	[tilespmem:s28], [sflag:$0x4] =	stream.indirect_vreg.gather [hbm4b:s6+s17], $0x80, v3, vm0, $0xb8;
	[tilespmem:$0x10400] =	vst v63  }
0x99: {  	_ = 	snop  }
0x9a: {  	[tilespmem:s29], [sflag:$0x4] =	stream.indirect_vreg.gather [hbm4b:s7+s17], $0x80, v3, vm0, $0xb8;
	[tilespmem:$0x10400] =	vst v63  }
0x9b: {  	_ = 	snop  }
0x9c: {  	[tilespmem:s30], [sflag:$0x4] =	stream.indirect_vreg.gather [hbm4b:s8+s17], $0x80, v3, vm0, $0xb8;
	[tilespmem:$0x10400] =	vst v63  }
0x9d: {  	_ =	swait.ge [sflag:s31], $0x4000  }
0x9e: {  	[sflag:s31] =	ssyncset.done $0x0  }
0x9f: {  	s19 =	simm.s32 $0x0;
	s18 =	simm.s32 $0x0;
	[sflag:s31] =	ssyncadd.s32 $0xFFFFC000  }
.LBB2_7:
0xa0: {  	s22 =	sshll.u32 s18, $0x2;
	s23 =	sand.u32 $0x7, s17  }
0xa1: {  	s22 =	sand.u32 $0xFFFF8000, s22;
	s23 =	sshll.u32 s23, $0x9  }
0xa2: {  	s22 =	sor.u32 s23, s22  }
0xa3: {  	s22 =	sshrl.u32 s22, $0x2  }
0xa4: {  	s22 =	sadd.s32 $0x4440, s22  }
0xa5: {  	v5 =	vld [tilespmem:s22+$0x30]  }
0xa6: {  	v7 =	vld [tilespmem:s22+$0xFFFFFFD0]  }
0xa7: {  	v9 =	vld [tilespmem:s22+$0xFFFFFFE0]  }
0xa8: {  	v6 =	vld [tilespmem:s22+$0xFFFFFFF0]  }
0xa9: {  	v4 =	vld [tilespmem:s22+$0x0]  }
0xaa: {  	v3 =	vld [tilespmem:s22+$0x10];
	v10 =	vmul.f32 $3.200000000e+01, v5  }
0xab: {  	v5 =	vld [tilespmem:s22+$0x20];
	v8 =	vmul.f32 $3.200000000e+01, v7  }
0xac: {  	s23 =	simm.s32 $0x0;
	s24 =	sadd.s32 $0x400, s22;
	v7 =	vld [tilespmem:s22+$0xFFFFFFC0];
	v9 =	vmul.f32 $3.200000000e+01, v9;
	[tilespmem:s22+$0x30] =	vst v10  }
.LBB2_8:
0xad: {  	v10 =	vld [tilespmem:s24+$0x30];
	s23 =	sadd.s32 $0x80, s23;
	[tilespmem:s22+$0xFFFFFFD0] =	vst v8;
	v6 =	vmul.f32 $3.200000000e+01, v6  }
0xae: {  	v8 =	vld [tilespmem:s24+$0xFFFFFFD0];
	p0 =	slt.u32 s23, $0x380;
	[tilespmem:s22+$0xFFFFFFE0] =	vst v9;
	v4 =	vmul.f32 $3.200000000e+01, v4  }
0xaf: {  	v9 =	vld [tilespmem:s24+$0xFFFFFFE0];
	[tilespmem:s22+$0xFFFFFFF0] =	vst v6;
	v3 =	vmul.f32 $3.200000000e+01, v3  }
.Ltmp2:
0xb0: {  	v6 =	vld [tilespmem:s24+$0xFFFFFFF0];
	[tilespmem:s22+$0x0] =	vst v4;
	v5 =	vmul.f32 $3.200000000e+01, v5;
	(pc) =	sbr.rel @p0 .LBB2_8-.Ltmp2, $4  }
0xb1: {  	v4 =	vld [tilespmem:s24+$0x0];
	v7 =	vmul.f32 $3.200000000e+01, v7;
	[tilespmem:s22+$0x10] =	vst v3  }
0xb2: {  	v3 =	vld [tilespmem:s24+$0x10];
	v10 =	vmul.f32 $3.200000000e+01, v10;
	[tilespmem:s22+$0x20] =	vst v5  }
0xb3: {  	v8 =	vmul.f32 $3.200000000e+01, v8;
	v5 =	vld [tilespmem:s24+$0x20];
	[tilespmem:s22+$0xFFFFFFC0] =	vst v7;
	s22 =	smov.u32 s24  }
0xb4: {  	s24 =	sadd.s32 $0x400, s24;
	v7 =	vld [tilespmem:s22+$0xFFFFFFC0];
	v9 =	vmul.f32 $3.200000000e+01, v9;
	[tilespmem:s22+$0x30] =	vst v10  }
0xb5: {  	[tilespmem:s22+$0xFFFFFFD0] =	vst v8;
	v6 =	vmul.f32 $3.200000000e+01, v6;
	s19 =	sadd.s32 $0x1, s19  }
0xb6: {  	[tilespmem:s22+$0xFFFFFFE0] =	vst v9;
	v4 =	vmul.f32 $3.200000000e+01, v4;
	p0 =	sne.s32 s19, $0x10  }
.Ltmp3:
0xb7: {  	[tilespmem:s22+$0xFFFFFFF0] =	vst v6;
	v3 =	vmul.f32 $3.200000000e+01, v3;
	(pc) =	sbr.rel @p0 .LBB2_7-.Ltmp3, $4  }
0xb8: {  	[tilespmem:s22+$0x0] =	vst v4;
	v62 =	vmul.f32 $3.200000000e+01, v5  }
0xb9: {  	v63 =	vmul.f32 $3.200000000e+01, v7;
	[tilespmem:s22+$0x10] =	vst v3  }
0xba: {  	[tilespmem:s22+$0x20] =	vst v62  }
0xbb: {  	s18 =	sadd.s32 $0x400, s18;
	s17 =	sadd.s32 $0x1, s17;
	[tilespmem:s22+$0xFFFFFFC0] =	vst v63  }
0xbc: {  	s16 =	sadd.s32 s11, s16  }
0xbd: {  	s16 =	sshrl.u32 s16, $0x3  }
0xbe: {  	s17 =	simm.s32 $0x4400;
	s16 =	sadd.s32 s3, s16  }
0xbf: {  	[hbm4b:s16+s4] =	stream.linear.scatter [tilespmem:s17], [sflag:$0x6], $0x4000, $0x38;
	[tilespmem:$0x10400] =	vst v63  }
0xc0: {  	p0 =	seq.s32 s12, $0xF;
	_ =	swait.ge [sflag:s5], $0x4000  }
0xc1: {  	s16 =	sshll.u32 @!p0 s12, $0x6;
	[sflag:s5] =	ssyncset.done $0x0  }
0xc2: {  	s16 =	sand.u32 @!p0 $0x3FFFFFC0, s16;
	[sflag:s5] =	ssyncadd.s32 $0xFFFFC000  }
0xc3: {  	v3 =	vld @!p0 [tilespmem:s16+$0x40];
	_ =	sdelay $0x4  }
0xc4: {  	v4 =	vshll.u32 @!p0 v3, $0x3  }
0xc5: {  	v5 =	vlaneseq.u32 @!p0;
	v3 =	vand.u32 @!p0 $0x7, v3;
	v4 =	vand.u32 @!p0 $0xFFFFFFC0, v4  }
0xc6: {  	v6 =	vshrl.u32 @!p0 v5, $0x3;
	v3 =	vor.u32 @!p0 v3, v4;
	v4 =	vand.u32 @!p0 $0x7, v5  }
0xc7: {  	v6 =	vmul.u32 @!p0 $0x8, v6;
	v4 =	vperm.xlane @!p0 v3, v4;
	_ =	sdelay $0x1  }
0xc8: {  	v4 =	vadd.s32 @!p0 v6, v4;
	_ =	sdelay $0x3  }
0xc9: {  	vm1 =	vmmov @!p0 $0xffff;
	s18 =	simm.s32 @!p0 $0x400;
	s17 =	simm.s32 @!p0 $0x0  }
0xca: {  	v5 =	vor.u32 @!p0 $0x8, v5;
	[tilespmem:s18], [sflag:$0x1] =	stream.indirect_vreg.gather @!p0 [hbm4b:s2+s17], $0x80, v4, vm1, $0xb8;
	[tilespmem:$0x10400] =	vst v63  }
0xcb: {  	v3 =	vperm.xlane @!p0 v3, v5;
	s18 =	simm.s32 @!p0 $0xC00  }
0xcc: {  	[tilespmem:s18], [sflag:$0x1] =	stream.indirect_vreg.gather @!p0 [hbm4b:s6+s17], $0x80, v4, vm1, $0xb8;
	[tilespmem:$0x10400] =	vst v63  }
0xcd: {  	v3 =	vadd.s32 @!p0 v6, v3;
	s18 =	simm.s32 @!p0 $0x1400  }
0xce: {  	[tilespmem:s18], [sflag:$0x1] =	stream.indirect_vreg.gather @!p0 [hbm4b:s7+s17], $0x80, v4, vm1, $0xb8;
	[tilespmem:$0x10400] =	vst v63  }
0xcf: {  	s18 =	simm.s32 @!p0 $0x1C00  }
0xd0: {  	[tilespmem:s18], [sflag:$0x1] =	stream.indirect_vreg.gather @!p0 [hbm4b:s8+s17], $0x80, v4, vm1, $0xb8;
	[tilespmem:$0x10400] =	vst v63  }
0xd1: {  	s18 =	simm.s32 @!p0 $0x2400  }
0xd2: {  	[tilespmem:s18], [sflag:$0x1] =	stream.indirect_vreg.gather @!p0 [hbm4b:s2+s17], $0x80, v3, vm1, $0xb8;
	[tilespmem:$0x10400] =	vst v63  }
0xd3: {  	s18 =	simm.s32 @!p0 $0x2C00  }
0xd4: {  	[tilespmem:s18], [sflag:$0x1] =	stream.indirect_vreg.gather @!p0 [hbm4b:s6+s17], $0x80, v3, vm1, $0xb8;
	[tilespmem:$0x10400] =	vst v63  }
0xd5: {  	s18 =	simm.s32 @!p0 $0x3400  }
0xd6: {  	[tilespmem:s18], [sflag:$0x1] =	stream.indirect_vreg.gather @!p0 [hbm4b:s7+s17], $0x80, v3, vm1, $0xb8;
	[tilespmem:$0x10400] =	vst v63  }
0xd7: {  	s18 =	simm.s32 @!p0 $0x3C00  }
0xd8: {  	[tilespmem:s18], [sflag:$0x1] =	stream.indirect_vreg.gather @!p0 [hbm4b:s8+s17], $0x80, v3, vm1, $0xb8;
	[tilespmem:$0x10400] =	vst v63  }
0xd9: {  	_ =	swait.ge [sflag:s10], $0x4000  }
0xda: {  	s19 =	simm.s32 $0x0;
	[sflag:s10] =	ssyncset.done $0x0  }
0xdb: {  	s17 =	simm.s32 $0x0;
	s18 =	simm.s32 $0x0;
	[sflag:s10] =	ssyncadd.s32 $0xFFFFC000  }
.LBB2_11:
0xdc: {  	s22 =	sshll.u32 s18, $0x2;
	s23 =	sand.u32 $0x7, s17  }
0xdd: {  	s22 =	sand.u32 $0xFFFF8000, s22;
	s23 =	sshll.u32 s23, $0x9  }
0xde: {  	s22 =	sor.u32 s23, s22  }
0xdf: {  	s22 =	sshrl.u32 s22, $0x2  }
0xe0: {  	s22 =	sadd.s32 $0x8440, s22  }
0xe1: {  	v5 =	vld [tilespmem:s22+$0x30]  }
0xe2: {  	v7 =	vld [tilespmem:s22+$0xFFFFFFD0]  }
0xe3: {  	v9 =	vld [tilespmem:s22+$0xFFFFFFE0]  }
0xe4: {  	v6 =	vld [tilespmem:s22+$0xFFFFFFF0]  }
0xe5: {  	v4 =	vld [tilespmem:s22+$0x0]  }
0xe6: {  	v3 =	vld [tilespmem:s22+$0x10];
	v10 =	vmul.f32 $3.200000000e+01, v5  }
0xe7: {  	v5 =	vld [tilespmem:s22+$0x20];
	v8 =	vmul.f32 $3.200000000e+01, v7  }
0xe8: {  	s23 =	simm.s32 $0x0;
	s24 =	sadd.s32 $0x400, s22;
	v7 =	vld [tilespmem:s22+$0xFFFFFFC0];
	v9 =	vmul.f32 $3.200000000e+01, v9;
	[tilespmem:s22+$0x30] =	vst v10  }
.LBB2_12:
0xe9: {  	v10 =	vld [tilespmem:s24+$0x30];
	s23 =	sadd.s32 $0x80, s23;
	[tilespmem:s22+$0xFFFFFFD0] =	vst v8;
	v6 =	vmul.f32 $3.200000000e+01, v6  }
0xea: {  	v8 =	vld [tilespmem:s24+$0xFFFFFFD0];
	p1 =	slt.u32 s23, $0x380;
	[tilespmem:s22+$0xFFFFFFE0] =	vst v9;
	v4 =	vmul.f32 $3.200000000e+01, v4  }
0xeb: {  	v9 =	vld [tilespmem:s24+$0xFFFFFFE0];
	[tilespmem:s22+$0xFFFFFFF0] =	vst v6;
	v3 =	vmul.f32 $3.200000000e+01, v3  }
.Ltmp4:
0xec: {  	v6 =	vld [tilespmem:s24+$0xFFFFFFF0];
	[tilespmem:s22+$0x0] =	vst v4;
	v5 =	vmul.f32 $3.200000000e+01, v5;
	(pc) =	sbr.rel @p1 .LBB2_12-.Ltmp4, $4  }
0xed: {  	v4 =	vld [tilespmem:s24+$0x0];
	v7 =	vmul.f32 $3.200000000e+01, v7;
	[tilespmem:s22+$0x10] =	vst v3  }
0xee: {  	v3 =	vld [tilespmem:s24+$0x10];
	v10 =	vmul.f32 $3.200000000e+01, v10;
	[tilespmem:s22+$0x20] =	vst v5  }
0xef: {  	v8 =	vmul.f32 $3.200000000e+01, v8;
	v5 =	vld [tilespmem:s24+$0x20];
	[tilespmem:s22+$0xFFFFFFC0] =	vst v7;
	s22 =	smov.u32 s24  }
0xf0: {  	s24 =	sadd.s32 $0x400, s24;
	v7 =	vld [tilespmem:s22+$0xFFFFFFC0];
	v9 =	vmul.f32 $3.200000000e+01, v9;
	[tilespmem:s22+$0x30] =	vst v10  }
0xf1: {  	[tilespmem:s22+$0xFFFFFFD0] =	vst v8;
	v6 =	vmul.f32 $3.200000000e+01, v6;
	s19 =	sadd.s32 $0x1, s19  }
0xf2: {  	[tilespmem:s22+$0xFFFFFFE0] =	vst v9;
	v4 =	vmul.f32 $3.200000000e+01, v4;
	p1 =	sne.s32 s19, $0x10  }
.Ltmp5:
0xf3: {  	[tilespmem:s22+$0xFFFFFFF0] =	vst v6;
	v3 =	vmul.f32 $3.200000000e+01, v3;
	(pc) =	sbr.rel @p1 .LBB2_11-.Ltmp5, $4  }
0xf4: {  	[tilespmem:s22+$0x0] =	vst v4;
	v62 =	vmul.f32 $3.200000000e+01, v5  }
0xf5: {  	v63 =	vmul.f32 $3.200000000e+01, v7;
	[tilespmem:s22+$0x10] =	vst v3  }
0xf6: {  	[tilespmem:s22+$0x20] =	vst v62  }
0xf7: {  	s18 =	sadd.s32 $0x400, s18;
	s17 =	sadd.s32 $0x1, s17;
	[tilespmem:s22+$0xFFFFFFC0] =	vst v63  }
0xf8: {  	s13 =	sshll.u32 s13, $0xE  }
0xf9: {  	s13 =	sadd.s32 s9, s13  }
0xfa: {  	s13 =	sshrl.u32 s13, $0x3  }
0xfb: {  	s13 =	sadd.s32 s3, s13  }
0xfc: {  	[hbm4b:s13+s4] =	stream.linear.scatter [tilespmem:s1], [sflag:$0x7], $0x4000, $0x38;
	[tilespmem:$0x10400] =	vst v63  }
0xfd: {  	_ =	swait.ge [sflag:s14], $0x4000  }
0xfe: {  	[sflag:s14] =	ssyncset.done $0x0  }
0xff: {  	[sflag:s14] =	ssyncadd.s32 $0xFFFFC000  }
0x100: {  	v3 =	vld @!p0 [tilespmem:s16+$0x50];
	_ =	sdelay $0x4  }
0x101: {  	v4 =	vshll.u32 @!p0 v3, $0x3  }
0x102: {  	v5 =	vlaneseq.u32 @!p0;
	v3 =	vand.u32 @!p0 $0x7, v3;
	v4 =	vand.u32 @!p0 $0xFFFFFFC0, v4  }
0x103: {  	v6 =	vshrl.u32 @!p0 v5, $0x3;
	v3 =	vor.u32 @!p0 v3, v4;
	v4 =	vand.u32 @!p0 $0x7, v5  }
0x104: {  	v6 =	vmul.u32 @!p0 $0x8, v6;
	v4 =	vperm.xlane @!p0 v3, v4;
	_ =	sdelay $0x1  }
0x105: {  	v4 =	vadd.s32 @!p0 v6, v4;
	_ =	sdelay $0x3  }
0x106: {  	s13 =	simm.s32 @!p0 $0x0;
	s16 =	simm.s32 @!p0 $0x4400  }
0x107: {  	v5 =	vor.u32 @!p0 $0x8, v5;
	[tilespmem:s16], [sflag:$0x2] =	stream.indirect_vreg.gather @!p0 [hbm4b:s2+s13], $0x80, v4, vm1, $0xb8;
	[tilespmem:$0x10400] =	vst v63  }
0x108: {  	v3 =	vperm.xlane @!p0 v3, v5;
	s16 =	simm.s32 @!p0 $0x4C00  }
0x109: {  	[tilespmem:s16], [sflag:$0x2] =	stream.indirect_vreg.gather @!p0 [hbm4b:s6+s13], $0x80, v4, vm1, $0xb8;
	[tilespmem:$0x10400] =	vst v63  }
0x10a: {  	v3 =	vadd.s32 @!p0 v6, v3;
	s16 =	simm.s32 @!p0 $0x5400  }
0x10b: {  	[tilespmem:s16], [sflag:$0x2] =	stream.indirect_vreg.gather @!p0 [hbm4b:s7+s13], $0x80, v4, vm1, $0xb8;
	[tilespmem:$0x10400] =	vst v63  }
0x10c: {  	s16 =	simm.s32 @!p0 $0x5C00  }
0x10d: {  	[tilespmem:s16], [sflag:$0x2] =	stream.indirect_vreg.gather @!p0 [hbm4b:s8+s13], $0x80, v4, vm1, $0xb8;
	[tilespmem:$0x10400] =	vst v63  }
0x10e: {  	s16 =	simm.s32 @!p0 $0x6400  }
0x10f: {  	[tilespmem:s16], [sflag:$0x2] =	stream.indirect_vreg.gather @!p0 [hbm4b:s2+s13], $0x80, v3, vm1, $0xb8;
	[tilespmem:$0x10400] =	vst v63  }
0x110: {  	s16 =	simm.s32 @!p0 $0x6C00  }
0x111: {  	[tilespmem:s16], [sflag:$0x2] =	stream.indirect_vreg.gather @!p0 [hbm4b:s6+s13], $0x80, v3, vm1, $0xb8;
	[tilespmem:$0x10400] =	vst v63  }
0x112: {  	s16 =	simm.s32 @!p0 $0x7400  }
0x113: {  	[tilespmem:s16], [sflag:$0x2] =	stream.indirect_vreg.gather @!p0 [hbm4b:s7+s13], $0x80, v3, vm1, $0xb8;
	[tilespmem:$0x10400] =	vst v63  }
0x114: {  	s16 =	simm.s32 @!p0 $0x7C00  }
0x115: {  	[tilespmem:s16], [sflag:$0x2] =	stream.indirect_vreg.gather @!p0 [hbm4b:s8+s13], $0x80, v3, vm1, $0xb8;
	[tilespmem:$0x10400] =	vst v63  }
0x116: {  	_ =	swait.ge [sflag:s0], $0x4000  }
0x117: {  	s17 =	simm.s32 $0x0;
	[sflag:s0] =	ssyncset.done $0x0  }
0x118: {  	s13 =	simm.s32 $0x0;
	s16 =	simm.s32 $0x0;
	[sflag:s0] =	ssyncadd.s32 $0xFFFFC000  }
.LBB2_15:
0x119: {  	s18 =	sshll.u32 s16, $0x2;
	s19 =	sand.u32 $0x7, s13  }
0x11a: {  	s18 =	sand.u32 $0xFFFF8000, s18;
	s19 =	sshll.u32 s19, $0x9  }
0x11b: {  	s18 =	sor.u32 s19, s18  }
0x11c: {  	s18 =	sshrl.u32 s18, $0x2  }
0x11d: {  	s18 =	sadd.s32 $0xC440, s18  }
0x11e: {  	v5 =	vld [tilespmem:s18+$0x30]  }
0x11f: {  	v7 =	vld [tilespmem:s18+$0xFFFFFFD0]  }
0x120: {  	v9 =	vld [tilespmem:s18+$0xFFFFFFE0]  }
0x121: {  	v6 =	vld [tilespmem:s18+$0xFFFFFFF0]  }
0x122: {  	v4 =	vld [tilespmem:s18+$0x0]  }
0x123: {  	v3 =	vld [tilespmem:s18+$0x10];
	v10 =	vmul.f32 $3.200000000e+01, v5  }
0x124: {  	v5 =	vld [tilespmem:s18+$0x20];
	v8 =	vmul.f32 $3.200000000e+01, v7  }
0x125: {  	s19 =	simm.s32 $0x0;
	s22 =	sadd.s32 $0x400, s18;
	v7 =	vld [tilespmem:s18+$0xFFFFFFC0];
	v9 =	vmul.f32 $3.200000000e+01, v9;
	[tilespmem:s18+$0x30] =	vst v10  }
.LBB2_16:
0x126: {  	v10 =	vld [tilespmem:s22+$0x30];
	s19 =	sadd.s32 $0x80, s19;
	[tilespmem:s18+$0xFFFFFFD0] =	vst v8;
	v6 =	vmul.f32 $3.200000000e+01, v6  }
0x127: {  	v8 =	vld [tilespmem:s22+$0xFFFFFFD0];
	p0 =	slt.u32 s19, $0x380;
	[tilespmem:s18+$0xFFFFFFE0] =	vst v9;
	v4 =	vmul.f32 $3.200000000e+01, v4  }
0x128: {  	v9 =	vld [tilespmem:s22+$0xFFFFFFE0];
	[tilespmem:s18+$0xFFFFFFF0] =	vst v6;
	v3 =	vmul.f32 $3.200000000e+01, v3  }
.Ltmp6:
0x129: {  	v6 =	vld [tilespmem:s22+$0xFFFFFFF0];
	[tilespmem:s18+$0x0] =	vst v4;
	v5 =	vmul.f32 $3.200000000e+01, v5;
	(pc) =	sbr.rel @p0 .LBB2_16-.Ltmp6, $4  }
0x12a: {  	v4 =	vld [tilespmem:s22+$0x0];
	v7 =	vmul.f32 $3.200000000e+01, v7;
	[tilespmem:s18+$0x10] =	vst v3  }
0x12b: {  	v3 =	vld [tilespmem:s22+$0x10];
	v10 =	vmul.f32 $3.200000000e+01, v10;
	[tilespmem:s18+$0x20] =	vst v5  }
0x12c: {  	v8 =	vmul.f32 $3.200000000e+01, v8;
	v5 =	vld [tilespmem:s22+$0x20];
	[tilespmem:s18+$0xFFFFFFC0] =	vst v7;
	s18 =	smov.u32 s22  }
0x12d: {  	s22 =	sadd.s32 $0x400, s22;
	v7 =	vld [tilespmem:s18+$0xFFFFFFC0];
	v9 =	vmul.f32 $3.200000000e+01, v9;
	[tilespmem:s18+$0x30] =	vst v10  }
0x12e: {  	[tilespmem:s18+$0xFFFFFFD0] =	vst v8;
	v6 =	vmul.f32 $3.200000000e+01, v6;
	s17 =	sadd.s32 $0x1, s17  }
0x12f: {  	[tilespmem:s18+$0xFFFFFFE0] =	vst v9;
	v4 =	vmul.f32 $3.200000000e+01, v4;
	p0 =	sne.s32 s17, $0x10  }
.Ltmp7:
0x130: {  	[tilespmem:s18+$0xFFFFFFF0] =	vst v6;
	v3 =	vmul.f32 $3.200000000e+01, v3;
	(pc) =	sbr.rel @p0 .LBB2_15-.Ltmp7, $4  }
0x131: {  	[tilespmem:s18+$0x0] =	vst v4;
	v62 =	vmul.f32 $3.200000000e+01, v5  }
0x132: {  	v63 =	vmul.f32 $3.200000000e+01, v7;
	[tilespmem:s18+$0x10] =	vst v3  }
0x133: {  	[tilespmem:s18+$0x20] =	vst v62  }
0x134: {  	s16 =	sadd.s32 $0x400, s16;
	s13 =	sadd.s32 $0x1, s13;
	[tilespmem:s18+$0xFFFFFFC0] =	vst v63  }
0x135: {  	s12 =	sadd.s32 $0x1, s12  }
0x136: {  	p0 =	sne.s32 s12, $0x10  }
.Ltmp8:
0x137: {  	s13 =	sshll.u32 s15, $0xE;
	(pc) =	sbr.rel @p0 .LBB2_2-.Ltmp8, $4  }
0x138: {  	s13 =	sadd.s32 s9, s13  }
0x139: {  	s13 =	sshrl.u32 s13, $0x3  }
0x13a: {  	s13 =	sadd.s32 s3, s13  }
0x13b: {  	[hbm4b:s13+s4] =	stream.linear.scatter [tilespmem:s21], [sflag:$0x8], $0x4000, $0x38;
	[tilespmem:$0x10400] =	vst v63  }
0x13c: {  	s12 =	simm.s32 $0x7  }
0x13d: {  	_ =	swait.ge [sflag:s12], $0x4000  }
0x13e: {  	[sflag:s12] =	ssyncset.done $0x0  }
0x13f: {  	s13 =	simm.s32 $0x8;
	[sflag:s12] =	ssyncadd.s32 $0xFFFFC000  }
0x140: {  	_ =	swait.ge [sflag:s13], $0x4000  }
0x141: {  	s15 =	rddreg [dreg:$0x6]  }
0x142: {  	s24 =	rddreg [dreg:$0x5];
	s15 =	sadd.s32 $0x1, s15  }
0x143: {  	p0 =	sne.s32 s15, s24  }
.Ltmp9:
0x144: {  	_ = 	snop;
	(pc) =	sbr.rel @p0 .LBB2_1-.Ltmp9, $3  }
0x145: {  	_ =	sdelay $0x1  }
0x146: {  	[sflag:s13] =	ssyncset.done $0x0  }
0x147: {  	[sflag:s13] =	ssyncadd.s32 $0xFFFFC000  }
0x148: {  	_ =	sfence.sel $0x180000  }
0x149: {  	[bflag:$0x0] =	sbarrier.arrive $0xFFFF  }
0x14a: {  	_ =	strace $0x90000047  }
0x14b: {  	s0 =	stileid.u32;
	[bflag:$0x2] =	sbarrier.arrive $0xFFFF  }
0x14c: {  	p0 =	sne.s32 s0, $0x0;
	s0 =	rddreg [dreg:$0x3]  }
0x14d: {  	s0 =	sadd.s32 @!p0 $0x100000, s0  }
0x14e: {  	[sflag:s0] =	ssyncadd.tile.s32 @!p0 $0x1;
	_ =	shalt  }
.Lfunc_end2:
_tile_overlayer_lowered:
.L_overlay_start_2:
0x14f: {  	(tag) =	ssettag $0x2  }
0x150: {  	s0 =	rddreg [dreg:$0x0];
	s2 =	stileid.u32  }
0x151: {  	s1 =	rddreg [dreg:$0x1];
	p0 =	sne.s32 s2, $0x0  }
0x152: {  	s3 =	rddreg [dreg:$0x2];
	[bflag:$0x3] =	sbarrier.arrive $0xFFFF;
	s2 =	simm.s32 @!p0 $0x1C09  }
0x153: {  	[timem:s3], [sflag:s2] =	dma.local @!p0 [hbm:s0], s1  }
0x154: {  	s0 =	simm.s32 @!p0 $0x9  }
0x155: {  	_ =	swait.ge @!p0 [sflag:s0], s1  }
0x156: {  	s1 =	ssub.s32 @!p0 $0x0, s1;
	[sflag:s0] =	ssyncset.done @!p0 $0x0  }
0x157: {  	[sflag:s0] =	ssyncadd.s32 @!p0 s1  }
0x158: {  	[bflag:$0x3] =	sbarrier.arrive $0xFFFF  }
0x159: {  	_ =	shalt  }

</sc_bundles>
